<compile_context>
chip_gen: v7x
topology: tpu7x:2x2x1
jax: 0.10.2.dev20260603
libtpu: 0.0.44.dev20260713+nightly
codegen_flags: <defaults>
</compile_context>

<pallas_src>
import functools

import jax
import jax.numpy as jnp
from jax import lax
from jax.experimental import pallas as pl
from jax.experimental.pallas import tpu as pltpu
from jax.experimental.pallas import tpu_sc as plsc

_NUM_CLASSES = 1000
_D = 128
_BATCH = 16384
_ALPHA = 0.99

_NC = 2
_NS = 16
_NW = _NC * _NS
_ROWS_PER_W = _BATCH // _NW
_CHUNKS = _ROWS_PER_W // 128
_ACC_ROWS = 1024
_ZROWS = _ACC_ROWS // _NS
_TAIL = _NUM_CLASSES - (_NS - 1) * _ZROWS

_mesh = plsc.VectorSubcoreMesh(core_axis_name="c", subcore_axis_name="s")


@functools.partial(
    pl.kernel,
    out_type=jax.ShapeDtypeStruct((_NC, _NUM_CLASSES, _D), jnp.float32),
    mesh=_mesh,
    scratch_types=[
        pltpu.VMEM((_CHUNKS, 128), jnp.int32),
        pltpu.VMEM((_ROWS_PER_W, _D), jnp.float32),
        pltpu.VMEM((_ZROWS // 4, _D), jnp.float32),
        pltpu.VMEM_SHARED((_ACC_ROWS, _D), jnp.float32),
        pltpu.SemaphoreType.DMA,
        pltpu.SemaphoreType.DMA,
        pltpu.SemaphoreType.DMA,
        pltpu.SemaphoreType.DMA,
        pltpu.SemaphoreType.DMA,
        pltpu.SemaphoreType.DMA,
        pltpu.SemaphoreType.DMA,
        pltpu.SemaphoreType.DMA,
        pltpu.SemaphoreType.DMA,
        pltpu.SemaphoreType.DMA,
        pltpu.SemaphoreType.DMA,
    ],
)
def _seg_sum(inputs_hbm, labels_hbm, out_hbm,
             idx_v, rows_v, zero_v, acc_sh, sem_z, sem_l, sem_s, *sem_r):
    c = lax.axis_index("c")
    s = lax.axis_index("s")
    wid = s * _NC + c
    base = wid * _ROWS_PER_W

    lab_dma = [
        pltpu.async_copy(labels_hbm.at[pl.ds(base + j * 128, 128)],
                         idx_v.at[j], sem_l)
        for j in range(_CHUNKS)
    ]
    row_dma = [
        pltpu.async_copy(inputs_hbm.at[pl.ds(base + j * 64, 64)],
                         rows_v.at[pl.ds(j * 64, 64)], sem_r[j])
        for j in range(2 * _CHUNKS)
    ]

    _ZQ = _ZROWS // 4

    def _zrow(r, carry):
        for j in range(_D // 16):
            zero_v[r, pl.ds(j * 16, 16)] = jnp.zeros((16,), jnp.float32)
        return carry

    lax.fori_loop(0, _ZQ, _zrow, 0)
    z_dma = [
        pltpu.async_copy(zero_v, acc_sh.at[pl.ds(s * _ZROWS + q * _ZQ, _ZQ)],
                         sem_z)
        for q in range(4)
    ]
    for d in z_dma:
        d.wait()
    plsc.subcore_barrier()
    for d in lab_dma:
        d.wait()

    sc_dma = []
    for j in range(_CHUNKS):
        row_dma[2 * j].wait()
        row_dma[2 * j + 1].wait()
        sc_dma.append(
            pltpu.async_copy(rows_v.at[pl.ds(j * 128, 128)],
                             acc_sh.at[idx_v.at[j]], sem_s, add=True))
    for d in sc_dma:
        d.wait()

    plsc.subcore_barrier()

    @pl.when(s < _NS - 1)
    def _():
        pltpu.sync_copy(acc_sh.at[pl.ds(s * _ZROWS, _ZROWS)],
                        out_hbm.at[c, pl.ds(s * _ZROWS, _ZROWS)])

    @pl.when(s == _NS - 1)
    def _():
        pltpu.sync_copy(acc_sh.at[pl.ds((_NS - 1) * _ZROWS, _TAIL)],
                        out_hbm.at[c, pl.ds((_NS - 1) * _ZROWS, _TAIL)])


def _combine_body(rates_ref, parts_ref, out_ref):
    rates = rates_ref[...]
    seg = parts_ref[0] + parts_ref[1]
    is_zero = jnp.sum(jnp.abs(rates)) == 0.0
    out_ref[...] = jnp.where(is_zero, rates + seg,
                             _ALPHA * rates + (1.0 - _ALPHA) * seg)


_combine = pl.pallas_call(
    _combine_body,
    out_shape=jax.ShapeDtypeStruct((_NUM_CLASSES, _D), jnp.float32),
)


def kernel(inputs, labels, rates):
    parts = _seg_sum(inputs, labels.astype(jnp.int32))
    return _combine(rates, parts)

# --- scband reference (transcript-rebuilt; emitter-appended) ---
"""Pipeline reference for scband-dcclassifier-8220567405245 (READ-ONLY COPY).

The authoritative reference and input builder live on the scoring server;
editing this copy changes nothing except your own understanding.
"""

import jax, jax.numpy as jnp
import numpy as np

NUM_CLASSES = 1000
DYN_SHAPE = (128,)
ALPHA = 0.99
BATCH = 16384


def setup_inputs(seed: int = 0) -> dict:
    key = jax.random.key(seed)
    k1, k2 = jax.random.split(key)
    inputs = jax.random.normal(k1, (BATCH,) + DYN_SHAPE, dtype=jnp.float32)
    labels = jax.random.randint(k2, (BATCH,), 0, NUM_CLASSES, dtype=jnp.int64)
    rates = jnp.zeros((NUM_CLASSES,) + DYN_SHAPE, dtype=jnp.float32)
    return {"inputs": inputs, "labels": labels, "rates": rates}


def reference(inputs, labels, rates):
    # Faithful translation of DCClassifier.forward:
    # if rates.abs().sum() == 0: rates.scatter_add_(0, labels_expanded, inputs)
    # else: rates = rates*alpha; rates.scatter_add_(0, labels_expanded, inputs*(1-alpha))
    is_zero = (jnp.abs(rates).sum() == 0.0)
    branch_init = rates.at[labels].add(inputs)
    decayed = rates * ALPHA
    branch_update = decayed.at[labels].add(inputs * (1.0 - ALPHA))
    new_rates = jnp.where(is_zero, branch_init, branch_update)
    return new_rates

if __name__ == "__main__":
    import jax
    _d = setup_inputs()
    print(jax.jit(kernel)(*tuple(_d.values())))

</pallas_src>

<mosaic_0001>
#map = affine_map<(d0, d1) -> (0, 0)>
#map1 = affine_map<(d0, d1) -> (0)>
#map2 = affine_map<(d0, d1) -> (0, 0, 0)>
module attributes {stable_mosaic.version = 14 : i64} {
  func.func @_seg_sum(%arg0: i32, %arg1: i32, %arg2: memref<16384x128xf32, #tpu.memory_space<hbm>>, %arg3: memref<16384xi32, #tpu.memory_space<hbm>>, %arg4: memref<2x1000x128xf32, #tpu.memory_space<hbm>>, %arg5: memref<4x128xi32, #tpu.memory_space<vmem>>, %arg6: memref<512x128xf32, #tpu.memory_space<vmem>>, %arg7: memref<16x128xf32, #tpu.memory_space<vmem>>, %arg8: memref<1024x128xf32, #tpu.memory_space<vmem_shared>>, %arg9: memref<!tpu.dma_semaphore, #tpu.memory_space<semaphore_mem>>, %arg10: memref<!tpu.dma_semaphore, #tpu.memory_space<semaphore_mem>>, %arg11: memref<!tpu.dma_semaphore, #tpu.memory_space<semaphore_mem>>, %arg12: memref<!tpu.dma_semaphore, #tpu.memory_space<semaphore_mem>>, %arg13: memref<!tpu.dma_semaphore, #tpu.memory_space<semaphore_mem>>, %arg14: memref<!tpu.dma_semaphore, #tpu.memory_space<semaphore_mem>>, %arg15: memref<!tpu.dma_semaphore, #tpu.memory_space<semaphore_mem>>, %arg16: memref<!tpu.dma_semaphore, #tpu.memory_space<semaphore_mem>>, %arg17: memref<!tpu.dma_semaphore, #tpu.memory_space<semaphore_mem>>, %arg18: memref<!tpu.dma_semaphore, #tpu.memory_space<semaphore_mem>>, %arg19: memref<!tpu.dma_semaphore, #tpu.memory_space<semaphore_mem>>) attributes {dimension_semantics = [#tpu.dimension_semantics<core_parallel>, #tpu.dimension_semantics<subcore_parallel>], iteration_bounds = array<i64: 2, 16>, scalar_prefetch = 0 : i64, scratch_operands = 15 : i64, tpu.core_type = #tpu.core_type<sc_vector_subcore>, window_params = [{transform_indices = #map}, {transform_indices = #map1}, {transform_indices = #map2}]} {
    %mul3A = arith.constant 2 : i32
    %mul3A_0 = arith.muli %arg1, %mul3A : i32
    %add3A = arith.addi %mul3A_0, %arg0 : i32
    %mul3A_1 = arith.constant 512 : i32
    %mul3A_2 = arith.muli %add3A, %mul3A_1 : i32
    %add3A_3 = arith.constant 0 : i32
    %add3A_4 = arith.addi %mul3A_2, %add3A_3 : i32
    %dma_start3A = arith.constant 0 : i32
    %dma_start3A_5 = arith.constant 0 : i32
    %dma_start3A_6 = tpu.memref_slice %arg5[%dma_start3A, %dma_start3A_5] : memref<4x128xi32, #tpu.memory_space<vmem>> -> memref<1x128xi32, #tpu.memory_space<vmem>>
    %dma_start3A_7 = tpu.memref_squeeze %dma_start3A_6 : memref<1x128xi32, #tpu.memory_space<vmem>> -> memref<128xi32, #tpu.memory_space<vmem>>
    %dma_start3A_8 = tpu.memref_slice %arg3[%add3A_4] : memref<16384xi32, #tpu.memory_space<hbm>> -> memref<128xi32, #tpu.memory_space<hbm>>
    %dma_start3A_9 = arith.constant 0 : i32
    %dma_start3A_10 = tpu.memref_slice %arg5[%dma_start3A, %dma_start3A_9] : memref<4x128xi32, #tpu.memory_space<vmem>> -> memref<1x128xi32, #tpu.memory_space<vmem>>
    %dma_start3A_11 = tpu.memref_squeeze %dma_start3A_10 : memref<1x128xi32, #tpu.memory_space<vmem>> -> memref<128xi32, #tpu.memory_space<vmem>>
    %dma_start3A_12 = tpu.memref_slice %arg3[%add3A_4] : memref<16384xi32, #tpu.memory_space<hbm>> -> memref<128xi32, #tpu.memory_space<hbm>>
    tpu.enqueue_dma source(%dma_start3A_12 : memref<128xi32, #tpu.memory_space<hbm>>) target(%dma_start3A_11 : memref<128xi32, #tpu.memory_space<vmem>>) target_semaphore(%arg10 : memref<!tpu.dma_semaphore, #tpu.memory_space<semaphore_mem>>)
    %add3A_13 = arith.constant 128 : i32
    %add3A_14 = arith.addi %mul3A_2, %add3A_13 : i32
    %dma_start3A_15 = arith.constant 1 : i32
    %dma_start3A_16 = arith.constant 0 : i32
    %dma_start3A_17 = tpu.memref_slice %arg5[%dma_start3A_15, %dma_start3A_16] : memref<4x128xi32, #tpu.memory_space<vmem>> -> memref<1x128xi32, #tpu.memory_space<vmem>>
    %dma_start3A_18 = tpu.memref_squeeze %dma_start3A_17 : memref<1x128xi32, #tpu.memory_space<vmem>> -> memref<128xi32, #tpu.memory_space<vmem>>
    %dma_start3A_19 = tpu.memref_slice %arg3[%add3A_14] : memref<16384xi32, #tpu.memory_space<hbm>> -> memref<128xi32, #tpu.memory_space<hbm>>
    %dma_start3A_20 = arith.constant 0 : i32
    %dma_start3A_21 = tpu.memref_slice %arg5[%dma_start3A_15, %dma_start3A_20] : memref<4x128xi32, #tpu.memory_space<vmem>> -> memref<1x128xi32, #tpu.memory_space<vmem>>
    %dma_start3A_22 = tpu.memref_squeeze %dma_start3A_21 : memref<1x128xi32, #tpu.memory_space<vmem>> -> memref<128xi32, #tpu.memory_space<vmem>>
    %dma_start3A_23 = tpu.memref_slice %arg3[%add3A_14] : memref<16384xi32, #tpu.memory_space<hbm>> -> memref<128xi32, #tpu.memory_space<hbm>>
    tpu.enqueue_dma source(%dma_start3A_23 : memref<128xi32, #tpu.memory_space<hbm>>) target(%dma_start3A_22 : memref<128xi32, #tpu.memory_space<vmem>>) target_semaphore(%arg10 : memref<!tpu.dma_semaphore, #tpu.memory_space<semaphore_mem>>)
    %add3A_24 = arith.constant 256 : i32
    %add3A_25 = arith.addi %mul3A_2, %add3A_24 : i32
    %dma_start3A_26 = arith.constant 2 : i32
    %dma_start3A_27 = arith.constant 0 : i32
    %dma_start3A_28 = tpu.memref_slice %arg5[%dma_start3A_26, %dma_start3A_27] : memref<4x128xi32, #tpu.memory_space<vmem>> -> memref<1x128xi32, #tpu.memory_space<vmem>>
    %dma_start3A_29 = tpu.memref_squeeze %dma_start3A_28 : memref<1x128xi32, #tpu.memory_space<vmem>> -> memref<128xi32, #tpu.memory_space<vmem>>
    %dma_start3A_30 = tpu.memref_slice %arg3[%add3A_25] : memref<16384xi32, #tpu.memory_space<hbm>> -> memref<128xi32, #tpu.memory_space<hbm>>
    %dma_start3A_31 = arith.constant 0 : i32
    %dma_start3A_32 = tpu.memref_slice %arg5[%dma_start3A_26, %dma_start3A_31] : memref<4x128xi32, #tpu.memory_space<vmem>> -> memref<1x128xi32, #tpu.memory_space<vmem>>
    %dma_start3A_33 = tpu.memref_squeeze %dma_start3A_32 : memref<1x128xi32, #tpu.memory_space<vmem>> -> memref<128xi32, #tpu.memory_space<vmem>>
    %dma_start3A_34 = tpu.memref_slice %arg3[%add3A_25] : memref<16384xi32, #tpu.memory_space<hbm>> -> memref<128xi32, #tpu.memory_space<hbm>>
    tpu.enqueue_dma source(%dma_start3A_34 : memref<128xi32, #tpu.memory_space<hbm>>) target(%dma_start3A_33 : memref<128xi32, #tpu.memory_space<vmem>>) target_semaphore(%arg10 : memref<!tpu.dma_semaphore, #tpu.memory_space<semaphore_mem>>)
    %add3A_35 = arith.constant 384 : i32
    %add3A_36 = arith.addi %mul3A_2, %add3A_35 : i32
    %dma_start3A_37 = arith.constant 3 : i32
    %dma_start3A_38 = arith.constant 0 : i32
    %dma_start3A_39 = tpu.memref_slice %arg5[%dma_start3A_37, %dma_start3A_38] : memref<4x128xi32, #tpu.memory_space<vmem>> -> memref<1x128xi32, #tpu.memory_space<vmem>>
    %dma_start3A_40 = tpu.memref_squeeze %dma_start3A_39 : memref<1x128xi32, #tpu.memory_space<vmem>> -> memref<128xi32, #tpu.memory_space<vmem>>
    %dma_start3A_41 = tpu.memref_slice %arg3[%add3A_36] : memref<16384xi32, #tpu.memory_space<hbm>> -> memref<128xi32, #tpu.memory_space<hbm>>
    %dma_start3A_42 = arith.constant 0 : i32
    %dma_start3A_43 = tpu.memref_slice %arg5[%dma_start3A_37, %dma_start3A_42] : memref<4x128xi32, #tpu.memory_space<vmem>> -> memref<1x128xi32, #tpu.memory_space<vmem>>
    %dma_start3A_44 = tpu.memref_squeeze %dma_start3A_43 : memref<1x128xi32, #tpu.memory_space<vmem>> -> memref<128xi32, #tpu.memory_space<vmem>>
    %dma_start3A_45 = tpu.memref_slice %arg3[%add3A_36] : memref<16384xi32, #tpu.memory_space<hbm>> -> memref<128xi32, #tpu.memory_space<hbm>>
    tpu.enqueue_dma source(%dma_start3A_45 : memref<128xi32, #tpu.memory_space<hbm>>) target(%dma_start3A_44 : memref<128xi32, #tpu.memory_space<vmem>>) target_semaphore(%arg10 : memref<!tpu.dma_semaphore, #tpu.memory_space<semaphore_mem>>)
    %add3A_46 = arith.constant 0 : i32
    %add3A_47 = arith.addi %mul3A_2, %add3A_46 : i32
    %dma_start3A_48 = arith.constant 0 : i32
    %dma_start3A_49 = arith.constant 0 : i32
    %dma_start3A_50 = tpu.memref_slice %arg6[%dma_start3A_48, %dma_start3A_49] : memref<512x128xf32, #tpu.memory_space<vmem>> -> memref<64x128xf32, #tpu.memory_space<vmem>>
    %dma_start3A_51 = arith.constant 0 : i32
    %dma_start3A_52 = tpu.memref_slice %arg2[%add3A_47, %dma_start3A_51] : memref<16384x128xf32, #tpu.memory_space<hbm>> -> memref<64x128xf32, #tpu.memory_space<hbm>>
    %dma_start3A_53 = arith.constant 0 : i32
    %dma_start3A_54 = arith.constant 0 : i32
    %dma_start3A_55 = tpu.memref_slice %arg6[%dma_start3A_53, %dma_start3A_54] : memref<512x128xf32, #tpu.memory_space<vmem>> -> memref<64x128xf32, #tpu.memory_space<vmem>>
    %dma_start3A_56 = arith.constant 0 : i32
    %dma_start3A_57 = tpu.memref_slice %arg2[%add3A_47, %dma_start3A_56] : memref<16384x128xf32, #tpu.memory_space<hbm>> -> memref<64x128xf32, #tpu.memory_space<hbm>>
    tpu.enqueue_dma source(%dma_start3A_57 : memref<64x128xf32, #tpu.memory_space<hbm>>) target(%dma_start3A_55 : memref<64x128xf32, #tpu.memory_space<vmem>>) target_semaphore(%arg12 : memref<!tpu.dma_semaphore, #tpu.memory_space<semaphore_mem>>)
    %add3A_58 = arith.constant 64 : i32
    %add3A_59 = arith.addi %mul3A_2, %add3A_58 : i32
    %dma_start3A_60 = arith.constant 64 : i32
    %dma_start3A_61 = arith.constant 0 : i32
    %dma_start3A_62 = tpu.memref_slice %arg6[%dma_start3A_60, %dma_start3A_61] : memref<512x128xf32, #tpu.memory_space<vmem>> -> memref<64x128xf32, #tpu.memory_space<vmem>>
    %dma_start3A_63 = arith.constant 0 : i32
    %dma_start3A_64 = tpu.memref_slice %arg2[%add3A_59, %dma_start3A_63] : memref<16384x128xf32, #tpu.memory_space<hbm>> -> memref<64x128xf32, #tpu.memory_space<hbm>>
    %dma_start3A_65 = arith.constant 64 : i32
    %dma_start3A_66 = arith.constant 0 : i32
    %dma_start3A_67 = tpu.memref_slice %arg6[%dma_start3A_65, %dma_start3A_66] : memref<512x128xf32, #tpu.memory_space<vmem>> -> memref<64x128xf32, #tpu.memory_space<vmem>>
    %dma_start3A_68 = arith.constant 0 : i32
    %dma_start3A_69 = tpu.memref_slice %arg2[%add3A_59, %dma_start3A_68] : memref<16384x128xf32, #tpu.memory_space<hbm>> -> memref<64x128xf32, #tpu.memory_space<hbm>>
    tpu.enqueue_dma source(%dma_start3A_69 : memref<64x128xf32, #tpu.memory_space<hbm>>) target(%dma_start3A_67 : memref<64x128xf32, #tpu.memory_space<vmem>>) target_semaphore(%arg13 : memref<!tpu.dma_semaphore, #tpu.memory_space<semaphore_mem>>)
    %add3A_70 = arith.constant 128 : i32
    %add3A_71 = arith.addi %mul3A_2, %add3A_70 : i32
    %dma_start3A_72 = arith.constant 128 : i32
    %dma_start3A_73 = arith.constant 0 : i32
    %dma_start3A_74 = tpu.memref_slice %arg6[%dma_start3A_72, %dma_start3A_73] : memref<512x128xf32, #tpu.memory_space<vmem>> -> memref<64x128xf32, #tpu.memory_space<vmem>>
    %dma_start3A_75 = arith.constant 0 : i32
    %dma_start3A_76 = tpu.memref_slice %arg2[%add3A_71, %dma_start3A_75] : memref<16384x128xf32, #tpu.memory_space<hbm>> -> memref<64x128xf32, #tpu.memory_space<hbm>>
    %dma_start3A_77 = arith.constant 128 : i32
    %dma_start3A_78 = arith.constant 0 : i32
    %dma_start3A_79 = tpu.memref_slice %arg6[%dma_start3A_77, %dma_start3A_78] : memref<512x128xf32, #tpu.memory_space<vmem>> -> memref<64x128xf32, #tpu.memory_space<vmem>>
    %dma_start3A_80 = arith.constant 0 : i32
    %dma_start3A_81 = tpu.memref_slice %arg2[%add3A_71, %dma_start3A_80] : memref<16384x128xf32, #tpu.memory_space<hbm>> -> memref<64x128xf32, #tpu.memory_space<hbm>>
    tpu.enqueue_dma source(%dma_start3A_81 : memref<64x128xf32, #tpu.memory_space<hbm>>) target(%dma_start3A_79 : memref<64x128xf32, #tpu.memory_space<vmem>>) target_semaphore(%arg14 : memref<!tpu.dma_semaphore, #tpu.memory_space<semaphore_mem>>)
    %add3A_82 = arith.constant 192 : i32
    %add3A_83 = arith.addi %mul3A_2, %add3A_82 : i32
    %dma_start3A_84 = arith.constant 192 : i32
    %dma_start3A_85 = arith.constant 0 : i32
    %dma_start3A_86 = tpu.memref_slice %arg6[%dma_start3A_84, %dma_start3A_85] : memref<512x128xf32, #tpu.memory_space<vmem>> -> memref<64x128xf32, #tpu.memory_space<vmem>>
    %dma_start3A_87 = arith.constant 0 : i32
    %dma_start3A_88 = tpu.memref_slice %arg2[%add3A_83, %dma_start3A_87] : memref<16384x128xf32, #tpu.memory_space<hbm>> -> memref<64x128xf32, #tpu.memory_space<hbm>>
    %dma_start3A_89 = arith.constant 192 : i32
    %dma_start3A_90 = arith.constant 0 : i32
    %dma_start3A_91 = tpu.memref_slice %arg6[%dma_start3A_89, %dma_start3A_90] : memref<512x128xf32, #tpu.memory_space<vmem>> -> memref<64x128xf32, #tpu.memory_space<vmem>>
    %dma_start3A_92 = arith.constant 0 : i32
    %dma_start3A_93 = tpu.memref_slice %arg2[%add3A_83, %dma_start3A_92] : memref<16384x128xf32, #tpu.memory_space<hbm>> -> memref<64x128xf32, #tpu.memory_space<hbm>>
    tpu.enqueue_dma source(%dma_start3A_93 : memref<64x128xf32, #tpu.memory_space<hbm>>) target(%dma_start3A_91 : memref<64x128xf32, #tpu.memory_space<vmem>>) target_semaphore(%arg15 : memref<!tpu.dma_semaphore, #tpu.memory_space<semaphore_mem>>)
    %add3A_94 = arith.constant 256 : i32
    %add3A_95 = arith.addi %mul3A_2, %add3A_94 : i32
    %dma_start3A_96 = arith.constant 256 : i32
    %dma_start3A_97 = arith.constant 0 : i32
    %dma_start3A_98 = tpu.memref_slice %arg6[%dma_start3A_96, %dma_start3A_97] : memref<512x128xf32, #tpu.memory_space<vmem>> -> memref<64x128xf32, #tpu.memory_space<vmem>>
    %dma_start3A_99 = arith.constant 0 : i32
    %dma_start3A_100 = tpu.memref_slice %arg2[%add3A_95, %dma_start3A_99] : memref<16384x128xf32, #tpu.memory_space<hbm>> -> memref<64x128xf32, #tpu.memory_space<hbm>>
    %dma_start3A_101 = arith.constant 256 : i32
    %dma_start3A_102 = arith.constant 0 : i32
    %dma_start3A_103 = tpu.memref_slice %arg6[%dma_start3A_101, %dma_start3A_102] : memref<512x128xf32, #tpu.memory_space<vmem>> -> memref<64x128xf32, #tpu.memory_space<vmem>>
    %dma_start3A_104 = arith.constant 0 : i32
    %dma_start3A_105 = tpu.memref_slice %arg2[%add3A_95, %dma_start3A_104] : memref<16384x128xf32, #tpu.memory_space<hbm>> -> memref<64x128xf32, #tpu.memory_space<hbm>>
    tpu.enqueue_dma source(%dma_start3A_105 : memref<64x128xf32, #tpu.memory_space<hbm>>) target(%dma_start3A_103 : memref<64x128xf32, #tpu.memory_space<vmem>>) target_semaphore(%arg16 : memref<!tpu.dma_semaphore, #tpu.memory_space<semaphore_mem>>)
    %add3A_106 = arith.constant 320 : i32
    %add3A_107 = arith.addi %mul3A_2, %add3A_106 : i32
    %dma_start3A_108 = arith.constant 320 : i32
    %dma_start3A_109 = arith.constant 0 : i32
    %dma_start3A_110 = tpu.memref_slice %arg6[%dma_start3A_108, %dma_start3A_109] : memref<512x128xf32, #tpu.memory_space<vmem>> -> memref<64x128xf32, #tpu.memory_space<vmem>>
    %dma_start3A_111 = arith.constant 0 : i32
    %dma_start3A_112 = tpu.memref_slice %arg2[%add3A_107, %dma_start3A_111] : memref<16384x128xf32, #tpu.memory_space<hbm>> -> memref<64x128xf32, #tpu.memory_space<hbm>>
    %dma_start3A_113 = arith.constant 320 : i32
    %dma_start3A_114 = arith.constant 0 : i32
    %dma_start3A_115 = tpu.memref_slice %arg6[%dma_start3A_113, %dma_start3A_114] : memref<512x128xf32, #tpu.memory_space<vmem>> -> memref<64x128xf32, #tpu.memory_space<vmem>>
    %dma_start3A_116 = arith.constant 0 : i32
    %dma_start3A_117 = tpu.memref_slice %arg2[%add3A_107, %dma_start3A_116] : memref<16384x128xf32, #tpu.memory_space<hbm>> -> memref<64x128xf32, #tpu.memory_space<hbm>>
    tpu.enqueue_dma source(%dma_start3A_117 : memref<64x128xf32, #tpu.memory_space<hbm>>) target(%dma_start3A_115 : memref<64x128xf32, #tpu.memory_space<vmem>>) target_semaphore(%arg17 : memref<!tpu.dma_semaphore, #tpu.memory_space<semaphore_mem>>)
    %add3A_118 = arith.constant 384 : i32
    %add3A_119 = arith.addi %mul3A_2, %add3A_118 : i32
    %dma_start3A_120 = arith.constant 384 : i32
    %dma_start3A_121 = arith.constant 0 : i32
    %dma_start3A_122 = tpu.memref_slice %arg6[%dma_start3A_120, %dma_start3A_121] : memref<512x128xf32, #tpu.memory_space<vmem>> -> memref<64x128xf32, #tpu.memory_space<vmem>>
    %dma_start3A_123 = arith.constant 0 : i32
    %dma_start3A_124 = tpu.memref_slice %arg2[%add3A_119, %dma_start3A_123] : memref<16384x128xf32, #tpu.memory_space<hbm>> -> memref<64x128xf32, #tpu.memory_space<hbm>>
    %dma_start3A_125 = arith.constant 384 : i32
    %dma_start3A_126 = arith.constant 0 : i32
    %dma_start3A_127 = tpu.memref_slice %arg6[%dma_start3A_125, %dma_start3A_126] : memref<512x128xf32, #tpu.memory_space<vmem>> -> memref<64x128xf32, #tpu.memory_space<vmem>>
    %dma_start3A_128 = arith.constant 0 : i32
    %dma_start3A_129 = tpu.memref_slice %arg2[%add3A_119, %dma_start3A_128] : memref<16384x128xf32, #tpu.memory_space<hbm>> -> memref<64x128xf32, #tpu.memory_space<hbm>>
    tpu.enqueue_dma source(%dma_start3A_129 : memref<64x128xf32, #tpu.memory_space<hbm>>) target(%dma_start3A_127 : memref<64x128xf32, #tpu.memory_space<vmem>>) target_semaphore(%arg18 : memref<!tpu.dma_semaphore, #tpu.memory_space<semaphore_mem>>)
    %add3A_130 = arith.constant 448 : i32
    %add3A_131 = arith.addi %mul3A_2, %add3A_130 : i32
    %dma_start3A_132 = arith.constant 448 : i32
    %dma_start3A_133 = arith.constant 0 : i32
    %dma_start3A_134 = tpu.memref_slice %arg6[%dma_start3A_132, %dma_start3A_133] : memref<512x128xf32, #tpu.memory_space<vmem>> -> memref<64x128xf32, #tpu.memory_space<vmem>>
    %dma_start3A_135 = arith.constant 0 : i32
    %dma_start3A_136 = tpu.memref_slice %arg2[%add3A_131, %dma_start3A_135] : memref<16384x128xf32, #tpu.memory_space<hbm>> -> memref<64x128xf32, #tpu.memory_space<hbm>>
    %dma_start3A_137 = arith.constant 448 : i32
    %dma_start3A_138 = arith.constant 0 : i32
    %dma_start3A_139 = tpu.memref_slice %arg6[%dma_start3A_137, %dma_start3A_138] : memref<512x128xf32, #tpu.memory_space<vmem>> -> memref<64x128xf32, #tpu.memory_space<vmem>>
    %dma_start3A_140 = arith.constant 0 : i32
    %dma_start3A_141 = tpu.memref_slice %arg2[%add3A_131, %dma_start3A_140] : memref<16384x128xf32, #tpu.memory_space<hbm>> -> memref<64x128xf32, #tpu.memory_space<hbm>>
    tpu.enqueue_dma source(%dma_start3A_141 : memref<64x128xf32, #tpu.memory_space<hbm>>) target(%dma_start3A_139 : memref<64x128xf32, #tpu.memory_space<vmem>>) target_semaphore(%arg19 : memref<!tpu.dma_semaphore, #tpu.memory_space<semaphore_mem>>)
    %scan3A = arith.constant 0 : i32
    %scan3A_142 = arith.constant 0 : i32
    %scan3A_143 = arith.constant 16 : i32
    %scan3A_144 = arith.addi %scan3A_142, %scan3A_143 : i32
    %scan3A_145 = arith.constant 1 : i32
    scf.for %scan3A_397 = %scan3A_142 to %scan3A_144 step %scan3A_145  : i32 {
      %broadcast_in_dim3A = arith.constant 0.000000e+00 : f32
      %broadcast_in_dim3A_398 = vector.broadcast %broadcast_in_dim3A : f32 to vector<16xf32>
      %swap3A = arith.index_cast %scan3A_397 : i32 to index
      %swap3A_399 = arith.constant 0 : index
      %swap3A_400 = tpu.vector_load %arg7[%swap3A, %swap3A_399] {strides = array<i32>} : memref<16x128xf32, #tpu.memory_space<vmem>>, vector<1x16xf32>,
      %swap3A_401 = vector.shape_cast %swap3A_400 : vector<1x16xf32> to vector<16xf32>
      %swap3A_402 = vector.shape_cast %broadcast_in_dim3A_398 : vector<16xf32> to vector<1x16xf32>
      tpu.vector_store %arg7[%swap3A, %swap3A_399], %swap3A_402 {strides = array<i32>} : memref<16x128xf32, #tpu.memory_space<vmem>>, vector<1x16xf32>,
      %broadcast_in_dim3A_403 = arith.constant 0.000000e+00 : f32
      %broadcast_in_dim3A_404 = vector.broadcast %broadcast_in_dim3A_403 : f32 to vector<16xf32>
      %swap3A_405 = arith.index_cast %scan3A_397 : i32 to index
      %swap3A_406 = arith.constant 16 : index
      %swap3A_407 = tpu.vector_load %arg7[%swap3A_405, %swap3A_406] {strides = array<i32>} : memref<16x128xf32, #tpu.memory_space<vmem>>, vector<1x16xf32>,
      %swap3A_408 = vector.shape_cast %swap3A_407 : vector<1x16xf32> to vector<16xf32>
      %swap3A_409 = vector.shape_cast %broadcast_in_dim3A_404 : vector<16xf32> to vector<1x16xf32>
      tpu.vector_store %arg7[%swap3A_405, %swap3A_406], %swap3A_409 {strides = array<i32>} : memref<16x128xf32, #tpu.memory_space<vmem>>, vector<1x16xf32>,
      %broadcast_in_dim3A_410 = arith.constant 0.000000e+00 : f32
      %broadcast_in_dim3A_411 = vector.broadcast %broadcast_in_dim3A_410 : f32 to vector<16xf32>
      %swap3A_412 = arith.index_cast %scan3A_397 : i32 to index
      %swap3A_413 = arith.constant 32 : index
      %swap3A_414 = tpu.vector_load %arg7[%swap3A_412, %swap3A_413] {strides = array<i32>} : memref<16x128xf32, #tpu.memory_space<vmem>>, vector<1x16xf32>,
      %swap3A_415 = vector.shape_cast %swap3A_414 : vector<1x16xf32> to vector<16xf32>
      %swap3A_416 = vector.shape_cast %broadcast_in_dim3A_411 : vector<16xf32> to vector<1x16xf32>
      tpu.vector_store %arg7[%swap3A_412, %swap3A_413], %swap3A_416 {strides = array<i32>} : memref<16x128xf32, #tpu.memory_space<vmem>>, vector<1x16xf32>,
      %broadcast_in_dim3A_417 = arith.constant 0.000000e+00 : f32
      %broadcast_in_dim3A_418 = vector.broadcast %broadcast_in_dim3A_417 : f32 to vector<16xf32>
      %swap3A_419 = arith.index_cast %scan3A_397 : i32 to index
      %swap3A_420 = arith.constant 48 : index
      %swap3A_421 = tpu.vector_load %arg7[%swap3A_419, %swap3A_420] {strides = array<i32>} : memref<16x128xf32, #tpu.memory_space<vmem>>, vector<1x16xf32>,
      %swap3A_422 = vector.shape_cast %swap3A_421 : vector<1x16xf32> to vector<16xf32>
      %swap3A_423 = vector.shape_cast %broadcast_in_dim3A_418 : vector<16xf32> to vector<1x16xf32>
      tpu.vector_store %arg7[%swap3A_419, %swap3A_420], %swap3A_423 {strides = array<i32>} : memref<16x128xf32, #tpu.memory_space<vmem>>, vector<1x16xf32>,
      %broadcast_in_dim3A_424 = arith.constant 0.000000e+00 : f32
      %broadcast_in_dim3A_425 = vector.broadcast %broadcast_in_dim3A_424 : f32 to vector<16xf32>
      %swap3A_426 = arith.index_cast %scan3A_397 : i32 to index
      %swap3A_427 = arith.constant 64 : index
      %swap3A_428 = tpu.vector_load %arg7[%swap3A_426, %swap3A_427] {strides = array<i32>} : memref<16x128xf32, #tpu.memory_space<vmem>>, vector<1x16xf32>,
      %swap3A_429 = vector.shape_cast %swap3A_428 : vector<1x16xf32> to vector<16xf32>
      %swap3A_430 = vector.shape_cast %broadcast_in_dim3A_425 : vector<16xf32> to vector<1x16xf32>
      tpu.vector_store %arg7[%swap3A_426, %swap3A_427], %swap3A_430 {strides = array<i32>} : memref<16x128xf32, #tpu.memory_space<vmem>>, vector<1x16xf32>,
      %broadcast_in_dim3A_431 = arith.constant 0.000000e+00 : f32
      %broadcast_in_dim3A_432 = vector.broadcast %broadcast_in_dim3A_431 : f32 to vector<16xf32>
      %swap3A_433 = arith.index_cast %scan3A_397 : i32 to index
      %swap3A_434 = arith.constant 80 : index
      %swap3A_435 = tpu.vector_load %arg7[%swap3A_433, %swap3A_434] {strides = array<i32>} : memref<16x128xf32, #tpu.memory_space<vmem>>, vector<1x16xf32>,
      %swap3A_436 = vector.shape_cast %swap3A_435 : vector<1x16xf32> to vector<16xf32>
      %swap3A_437 = vector.shape_cast %broadcast_in_dim3A_432 : vector<16xf32> to vector<1x16xf32>
      tpu.vector_store %arg7[%swap3A_433, %swap3A_434], %swap3A_437 {strides = array<i32>} : memref<16x128xf32, #tpu.memory_space<vmem>>, vector<1x16xf32>,
      %broadcast_in_dim3A_438 = arith.constant 0.000000e+00 : f32
      %broadcast_in_dim3A_439 = vector.broadcast %broadcast_in_dim3A_438 : f32 to vector<16xf32>
      %swap3A_440 = arith.index_cast %scan3A_397 : i32 to index
      %swap3A_441 = arith.constant 96 : index
      %swap3A_442 = tpu.vector_load %arg7[%swap3A_440, %swap3A_441] {strides = array<i32>} : memref<16x128xf32, #tpu.memory_space<vmem>>, vector<1x16xf32>,
      %swap3A_443 = vector.shape_cast %swap3A_442 : vector<1x16xf32> to vector<16xf32>
      %swap3A_444 = vector.shape_cast %broadcast_in_dim3A_439 : vector<16xf32> to vector<1x16xf32>
      tpu.vector_store %arg7[%swap3A_440, %swap3A_441], %swap3A_444 {strides = array<i32>} : memref<16x128xf32, #tpu.memory_space<vmem>>, vector<1x16xf32>,
      %broadcast_in_dim3A_445 = arith.constant 0.000000e+00 : f32
      %broadcast_in_dim3A_446 = vector.broadcast %broadcast_in_dim3A_445 : f32 to vector<16xf32>
      %swap3A_447 = arith.index_cast %scan3A_397 : i32 to index
      %swap3A_448 = arith.constant 112 : index
      %swap3A_449 = tpu.vector_load %arg7[%swap3A_447, %swap3A_448] {strides = array<i32>} : memref<16x128xf32, #tpu.memory_space<vmem>>, vector<1x16xf32>,
      %swap3A_450 = vector.shape_cast %swap3A_449 : vector<1x16xf32> to vector<16xf32>
      %swap3A_451 = vector.shape_cast %broadcast_in_dim3A_446 : vector<16xf32> to vector<1x16xf32>
      tpu.vector_store %arg7[%swap3A_447, %swap3A_448], %swap3A_451 {strides = array<i32>} : memref<16x128xf32, #tpu.memory_space<vmem>>, vector<1x16xf32>,
    }
    %scan3A_146 = arith.constant 16 : i32
    %mul3A_147 = arith.constant 64 : i32
    %mul3A_148 = arith.muli %arg1, %mul3A_147 : i32
    %add3A_149 = arith.constant 0 : i32
    %add3A_150 = arith.addi %mul3A_148, %add3A_149 : i32
    %dma_start3A_151 = arith.constant 0 : i32
    %dma_start3A_152 = tpu.memref_slice %arg8[%add3A_150, %dma_start3A_151] : memref<1024x128xf32, #tpu.memory_space<vmem_shared>> -> memref<16x128xf32, #tpu.memory_space<vmem_shared>>
    %dma_start3A_153 = arith.constant 0 : i32
    %dma_start3A_154 = tpu.memref_slice %arg8[%add3A_150, %dma_start3A_153] : memref<1024x128xf32, #tpu.memory_space<vmem_shared>> -> memref<16x128xf32, #tpu.memory_space<vmem_shared>>
    tpu.enqueue_dma source(%arg7 : memref<16x128xf32, #tpu.memory_space<vmem>>) target(%dma_start3A_154 : memref<16x128xf32, #tpu.memory_space<vmem_shared>>) target_semaphore(%arg9 : memref<!tpu.dma_semaphore, #tpu.memory_space<semaphore_mem>>)
    %mul3A_155 = arith.constant 64 : i32
    %mul3A_156 = arith.muli %arg1, %mul3A_155 : i32
    %add3A_157 = arith.constant 16 : i32
    %add3A_158 = arith.addi %mul3A_156, %add3A_157 : i32
    %dma_start3A_159 = arith.constant 0 : i32
    %dma_start3A_160 = tpu.memref_slice %arg8[%add3A_158, %dma_start3A_159] : memref<1024x128xf32, #tpu.memory_space<vmem_shared>> -> memref<16x128xf32, #tpu.memory_space<vmem_shared>>
    %dma_start3A_161 = arith.constant 0 : i32
    %dma_start3A_162 = tpu.memref_slice %arg8[%add3A_158, %dma_start3A_161] : memref<1024x128xf32, #tpu.memory_space<vmem_shared>> -> memref<16x128xf32, #tpu.memory_space<vmem_shared>>
    tpu.enqueue_dma source(%arg7 : memref<16x128xf32, #tpu.memory_space<vmem>>) target(%dma_start3A_162 : memref<16x128xf32, #tpu.memory_space<vmem_shared>>) target_semaphore(%arg9 : memref<!tpu.dma_semaphore, #tpu.memory_space<semaphore_mem>>)
    %mul3A_163 = arith.constant 64 : i32
    %mul3A_164 = arith.muli %arg1, %mul3A_163 : i32
    %add3A_165 = arith.constant 32 : i32
    %add3A_166 = arith.addi %mul3A_164, %add3A_165 : i32
    %dma_start3A_167 = arith.constant 0 : i32
    %dma_start3A_168 = tpu.memref_slice %arg8[%add3A_166, %dma_start3A_167] : memref<1024x128xf32, #tpu.memory_space<vmem_shared>> -> memref<16x128xf32, #tpu.memory_space<vmem_shared>>
    %dma_start3A_169 = arith.constant 0 : i32
    %dma_start3A_170 = tpu.memref_slice %arg8[%add3A_166, %dma_start3A_169] : memref<1024x128xf32, #tpu.memory_space<vmem_shared>> -> memref<16x128xf32, #tpu.memory_space<vmem_shared>>
    tpu.enqueue_dma source(%arg7 : memref<16x128xf32, #tpu.memory_space<vmem>>) target(%dma_start3A_170 : memref<16x128xf32, #tpu.memory_space<vmem_shared>>) target_semaphore(%arg9 : memref<!tpu.dma_semaphore, #tpu.memory_space<semaphore_mem>>)
    %mul3A_171 = arith.constant 64 : i32
    %mul3A_172 = arith.muli %arg1, %mul3A_171 : i32
    %add3A_173 = arith.constant 48 : i32
    %add3A_174 = arith.addi %mul3A_172, %add3A_173 : i32
    %dma_start3A_175 = arith.constant 0 : i32
    %dma_start3A_176 = tpu.memref_slice %arg8[%add3A_174, %dma_start3A_175] : memref<1024x128xf32, #tpu.memory_space<vmem_shared>> -> memref<16x128xf32, #tpu.memory_space<vmem_shared>>
    %dma_start3A_177 = arith.constant 0 : i32
    %dma_start3A_178 = tpu.memref_slice %arg8[%add3A_174, %dma_start3A_177] : memref<1024x128xf32, #tpu.memory_space<vmem_shared>> -> memref<16x128xf32, #tpu.memory_space<vmem_shared>>
    tpu.enqueue_dma source(%arg7 : memref<16x128xf32, #tpu.memory_space<vmem>>) target(%dma_start3A_178 : memref<16x128xf32, #tpu.memory_space<vmem_shared>>) target_semaphore(%arg9 : memref<!tpu.dma_semaphore, #tpu.memory_space<semaphore_mem>>)
    %dma_wait3A = arith.constant 0 : i32
    %dma_wait3A_179 = tpu.memref_slice %arg8[%add3A_150, %dma_wait3A] : memref<1024x128xf32, #tpu.memory_space<vmem_shared>> -> memref<16x128xf32, #tpu.memory_space<vmem_shared>>
    %dma_wait3A_180 = arith.constant 0 : i32
    %dma_wait3A_181 = tpu.memref_slice %arg8[%add3A_150, %dma_wait3A_180] : memref<1024x128xf32, #tpu.memory_space<vmem_shared>> -> memref<16x128xf32, #tpu.memory_space<vmem_shared>>
    tpu.wait_dma2 semaphore(%arg9 : memref<!tpu.dma_semaphore, #tpu.memory_space<semaphore_mem>>) src(%arg7 : memref<16x128xf32, #tpu.memory_space<vmem>>) dst(%dma_wait3A_181 : memref<16x128xf32, #tpu.memory_space<vmem_shared>>)
    %dma_wait3A_182 = arith.constant 0 : i32
    %dma_wait3A_183 = tpu.memref_slice %arg8[%add3A_158, %dma_wait3A_182] : memref<1024x128xf32, #tpu.memory_space<vmem_shared>> -> memref<16x128xf32, #tpu.memory_space<vmem_shared>>
    %dma_wait3A_184 = arith.constant 0 : i32
    %dma_wait3A_185 = tpu.memref_slice %arg8[%add3A_158, %dma_wait3A_184] : memref<1024x128xf32, #tpu.memory_space<vmem_shared>> -> memref<16x128xf32, #tpu.memory_space<vmem_shared>>
    tpu.wait_dma2 semaphore(%arg9 : memref<!tpu.dma_semaphore, #tpu.memory_space<semaphore_mem>>) src(%arg7 : memref<16x128xf32, #tpu.memory_space<vmem>>) dst(%dma_wait3A_185 : memref<16x128xf32, #tpu.memory_space<vmem_shared>>)
    %dma_wait3A_186 = arith.constant 0 : i32
    %dma_wait3A_187 = tpu.memref_slice %arg8[%add3A_166, %dma_wait3A_186] : memref<1024x128xf32, #tpu.memory_space<vmem_shared>> -> memref<16x128xf32, #tpu.memory_space<vmem_shared>>
    %dma_wait3A_188 = arith.constant 0 : i32
    %dma_wait3A_189 = tpu.memref_slice %arg8[%add3A_166, %dma_wait3A_188] : memref<1024x128xf32, #tpu.memory_space<vmem_shared>> -> memref<16x128xf32, #tpu.memory_space<vmem_shared>>
    tpu.wait_dma2 semaphore(%arg9 : memref<!tpu.dma_semaphore, #tpu.memory_space<semaphore_mem>>) src(%arg7 : memref<16x128xf32, #tpu.memory_space<vmem>>) dst(%dma_wait3A_189 : memref<16x128xf32, #tpu.memory_space<vmem_shared>>)
    %dma_wait3A_190 = arith.constant 0 : i32
    %dma_wait3A_191 = tpu.memref_slice %arg8[%add3A_174, %dma_wait3A_190] : memref<1024x128xf32, #tpu.memory_space<vmem_shared>> -> memref<16x128xf32, #tpu.memory_space<vmem_shared>>
    %dma_wait3A_192 = arith.constant 0 : i32
    %dma_wait3A_193 = tpu.memref_slice %arg8[%add3A_174, %dma_wait3A_192] : memref<1024x128xf32, #tpu.memory_space<vmem_shared>> -> memref<16x128xf32, #tpu.memory_space<vmem_shared>>
    tpu.wait_dma2 semaphore(%arg9 : memref<!tpu.dma_semaphore, #tpu.memory_space<semaphore_mem>>) src(%arg7 : memref<16x128xf32, #tpu.memory_space<vmem>>) dst(%dma_wait3A_193 : memref<16x128xf32, #tpu.memory_space<vmem_shared>>)
    %barrier3A = arith.constant 0 : index
    tpu.barrier barrier_id(%barrier3A)
    %dma_wait3A_194 = arith.constant 0 : i32
    %dma_wait3A_195 = arith.constant 0 : i32
    %dma_wait3A_196 = tpu.memref_slice %arg5[%dma_wait3A_194, %dma_wait3A_195] : memref<4x128xi32, #tpu.memory_space<vmem>> -> memref<1x128xi32, #tpu.memory_space<vmem>>
    %dma_wait3A_197 = tpu.memref_squeeze %dma_wait3A_196 : memref<1x128xi32, #tpu.memory_space<vmem>> -> memref<128xi32, #tpu.memory_space<vmem>>
    %dma_wait3A_198 = tpu.memref_slice %arg3[%add3A_4] : memref<16384xi32, #tpu.memory_space<hbm>> -> memref<128xi32, #tpu.memory_space<hbm>>
    %dma_wait3A_199 = arith.constant 0 : i32
    %dma_wait3A_200 = tpu.memref_slice %arg5[%dma_wait3A_194, %dma_wait3A_199] : memref<4x128xi32, #tpu.memory_space<vmem>> -> memref<1x128xi32, #tpu.memory_space<vmem>>
    %dma_wait3A_201 = tpu.memref_squeeze %dma_wait3A_200 : memref<1x128xi32, #tpu.memory_space<vmem>> -> memref<128xi32, #tpu.memory_space<vmem>>
    %dma_wait3A_202 = tpu.memref_slice %arg3[%add3A_4] : memref<16384xi32, #tpu.memory_space<hbm>> -> memref<128xi32, #tpu.memory_space<hbm>>
    tpu.wait_dma2 semaphore(%arg10 : memref<!tpu.dma_semaphore, #tpu.memory_space<semaphore_mem>>) src(%dma_wait3A_202 : memref<128xi32, #tpu.memory_space<hbm>>) dst(%dma_wait3A_201 : memref<128xi32, #tpu.memory_space<vmem>>)
    %dma_wait3A_203 = arith.constant 1 : i32
    %dma_wait3A_204 = arith.constant 0 : i32
    %dma_wait3A_205 = tpu.memref_slice %arg5[%dma_wait3A_203, %dma_wait3A_204] : memref<4x128xi32, #tpu.memory_space<vmem>> -> memref<1x128xi32, #tpu.memory_space<vmem>>
    %dma_wait3A_206 = tpu.memref_squeeze %dma_wait3A_205 : memref<1x128xi32, #tpu.memory_space<vmem>> -> memref<128xi32, #tpu.memory_space<vmem>>
    %dma_wait3A_207 = tpu.memref_slice %arg3[%add3A_14] : memref<16384xi32, #tpu.memory_space<hbm>> -> memref<128xi32, #tpu.memory_space<hbm>>
    %dma_wait3A_208 = arith.constant 0 : i32
    %dma_wait3A_209 = tpu.memref_slice %arg5[%dma_wait3A_203, %dma_wait3A_208] : memref<4x128xi32, #tpu.memory_space<vmem>> -> memref<1x128xi32, #tpu.memory_space<vmem>>
    %dma_wait3A_210 = tpu.memref_squeeze %dma_wait3A_209 : memref<1x128xi32, #tpu.memory_space<vmem>> -> memref<128xi32, #tpu.memory_space<vmem>>
    %dma_wait3A_211 = tpu.memref_slice %arg3[%add3A_14] : memref<16384xi32, #tpu.memory_space<hbm>> -> memref<128xi32, #tpu.memory_space<hbm>>
    tpu.wait_dma2 semaphore(%arg10 : memref<!tpu.dma_semaphore, #tpu.memory_space<semaphore_mem>>) src(%dma_wait3A_211 : memref<128xi32, #tpu.memory_space<hbm>>) dst(%dma_wait3A_210 : memref<128xi32, #tpu.memory_space<vmem>>)
    %dma_wait3A_212 = arith.constant 2 : i32
    %dma_wait3A_213 = arith.constant 0 : i32
    %dma_wait3A_214 = tpu.memref_slice %arg5[%dma_wait3A_212, %dma_wait3A_213] : memref<4x128xi32, #tpu.memory_space<vmem>> -> memref<1x128xi32, #tpu.memory_space<vmem>>
    %dma_wait3A_215 = tpu.memref_squeeze %dma_wait3A_214 : memref<1x128xi32, #tpu.memory_space<vmem>> -> memref<128xi32, #tpu.memory_space<vmem>>
    %dma_wait3A_216 = tpu.memref_slice %arg3[%add3A_25] : memref<16384xi32, #tpu.memory_space<hbm>> -> memref<128xi32, #tpu.memory_space<hbm>>
    %dma_wait3A_217 = arith.constant 0 : i32
    %dma_wait3A_218 = tpu.memref_slice %arg5[%dma_wait3A_212, %dma_wait3A_217] : memref<4x128xi32, #tpu.memory_space<vmem>> -> memref<1x128xi32, #tpu.memory_space<vmem>>
    %dma_wait3A_219 = tpu.memref_squeeze %dma_wait3A_218 : memref<1x128xi32, #tpu.memory_space<vmem>> -> memref<128xi32, #tpu.memory_space<vmem>>
    %dma_wait3A_220 = tpu.memref_slice %arg3[%add3A_25] : memref<16384xi32, #tpu.memory_space<hbm>> -> memref<128xi32, #tpu.memory_space<hbm>>
    tpu.wait_dma2 semaphore(%arg10 : memref<!tpu.dma_semaphore, #tpu.memory_space<semaphore_mem>>) src(%dma_wait3A_220 : memref<128xi32, #tpu.memory_space<hbm>>) dst(%dma_wait3A_219 : memref<128xi32, #tpu.memory_space<vmem>>)
    %dma_wait3A_221 = arith.constant 3 : i32
    %dma_wait3A_222 = arith.constant 0 : i32
    %dma_wait3A_223 = tpu.memref_slice %arg5[%dma_wait3A_221, %dma_wait3A_222] : memref<4x128xi32, #tpu.memory_space<vmem>> -> memref<1x128xi32, #tpu.memory_space<vmem>>
    %dma_wait3A_224 = tpu.memref_squeeze %dma_wait3A_223 : memref<1x128xi32, #tpu.memory_space<vmem>> -> memref<128xi32, #tpu.memory_space<vmem>>
    %dma_wait3A_225 = tpu.memref_slice %arg3[%add3A_36] : memref<16384xi32, #tpu.memory_space<hbm>> -> memref<128xi32, #tpu.memory_space<hbm>>
    %dma_wait3A_226 = arith.constant 0 : i32
    %dma_wait3A_227 = tpu.memref_slice %arg5[%dma_wait3A_221, %dma_wait3A_226] : memref<4x128xi32, #tpu.memory_space<vmem>> -> memref<1x128xi32, #tpu.memory_space<vmem>>
    %dma_wait3A_228 = tpu.memref_squeeze %dma_wait3A_227 : memref<1x128xi32, #tpu.memory_space<vmem>> -> memref<128xi32, #tpu.memory_space<vmem>>
    %dma_wait3A_229 = tpu.memref_slice %arg3[%add3A_36] : memref<16384xi32, #tpu.memory_space<hbm>> -> memref<128xi32, #tpu.memory_space<hbm>>
    tpu.wait_dma2 semaphore(%arg10 : memref<!tpu.dma_semaphore, #tpu.memory_space<semaphore_mem>>) src(%dma_wait3A_229 : memref<128xi32, #tpu.memory_space<hbm>>) dst(%dma_wait3A_228 : memref<128xi32, #tpu.memory_space<vmem>>)
    %dma_wait3A_230 = arith.constant 0 : i32
    %dma_wait3A_231 = arith.constant 0 : i32
    %dma_wait3A_232 = tpu.memref_slice %arg6[%dma_wait3A_230, %dma_wait3A_231] : memref<512x128xf32, #tpu.memory_space<vmem>> -> memref<64x128xf32, #tpu.memory_space<vmem>>
    %dma_wait3A_233 = arith.constant 0 : i32
    %dma_wait3A_234 = tpu.memref_slice %arg2[%add3A_47, %dma_wait3A_233] : memref<16384x128xf32, #tpu.memory_space<hbm>> -> memref<64x128xf32, #tpu.memory_space<hbm>>
    %dma_wait3A_235 = arith.constant 0 : i32
    %dma_wait3A_236 = arith.constant 0 : i32
    %dma_wait3A_237 = tpu.memref_slice %arg6[%dma_wait3A_235, %dma_wait3A_236] : memref<512x128xf32, #tpu.memory_space<vmem>> -> memref<64x128xf32, #tpu.memory_space<vmem>>
    %dma_wait3A_238 = arith.constant 0 : i32
    %dma_wait3A_239 = tpu.memref_slice %arg2[%add3A_47, %dma_wait3A_238] : memref<16384x128xf32, #tpu.memory_space<hbm>> -> memref<64x128xf32, #tpu.memory_space<hbm>>
    tpu.wait_dma2 semaphore(%arg12 : memref<!tpu.dma_semaphore, #tpu.memory_space<semaphore_mem>>) src(%dma_wait3A_239 : memref<64x128xf32, #tpu.memory_space<hbm>>) dst(%dma_wait3A_237 : memref<64x128xf32, #tpu.memory_space<vmem>>)
    %dma_wait3A_240 = arith.constant 64 : i32
    %dma_wait3A_241 = arith.constant 0 : i32
    %dma_wait3A_242 = tpu.memref_slice %arg6[%dma_wait3A_240, %dma_wait3A_241] : memref<512x128xf32, #tpu.memory_space<vmem>> -> memref<64x128xf32, #tpu.memory_space<vmem>>
    %dma_wait3A_243 = arith.constant 0 : i32
    %dma_wait3A_244 = tpu.memref_slice %arg2[%add3A_59, %dma_wait3A_243] : memref<16384x128xf32, #tpu.memory_space<hbm>> -> memref<64x128xf32, #tpu.memory_space<hbm>>
    %dma_wait3A_245 = arith.constant 64 : i32
    %dma_wait3A_246 = arith.constant 0 : i32
    %dma_wait3A_247 = tpu.memref_slice %arg6[%dma_wait3A_245, %dma_wait3A_246] : memref<512x128xf32, #tpu.memory_space<vmem>> -> memref<64x128xf32, #tpu.memory_space<vmem>>
    %dma_wait3A_248 = arith.constant 0 : i32
    %dma_wait3A_249 = tpu.memref_slice %arg2[%add3A_59, %dma_wait3A_248] : memref<16384x128xf32, #tpu.memory_space<hbm>> -> memref<64x128xf32, #tpu.memory_space<hbm>>
    tpu.wait_dma2 semaphore(%arg13 : memref<!tpu.dma_semaphore, #tpu.memory_space<semaphore_mem>>) src(%dma_wait3A_249 : memref<64x128xf32, #tpu.memory_space<hbm>>) dst(%dma_wait3A_247 : memref<64x128xf32, #tpu.memory_space<vmem>>)
    %dma_start3A_250 = arith.constant 0 : i32
    %dma_start3A_251 = arith.constant 0 : i32
    %dma_start3A_252 = arith.constant 0 : i32
    %dma_start3A_253 = tpu.memref_slice %arg6[%dma_start3A_251, %dma_start3A_252] : memref<512x128xf32, #tpu.memory_space<vmem>> -> memref<128x128xf32, #tpu.memory_space<vmem>>
    %dma_start3A_254 = arith.constant 0 : i32
    %dma_start3A_255 = tpu.memref_slice %arg5[%dma_start3A_250, %dma_start3A_254] : memref<4x128xi32, #tpu.memory_space<vmem>> -> memref<1x128xi32, #tpu.memory_space<vmem>>
    %dma_start3A_256 = tpu.memref_squeeze %dma_start3A_255 : memref<1x128xi32, #tpu.memory_space<vmem>> -> memref<128xi32, #tpu.memory_space<vmem>>
    %dma_start3A_257 = arith.constant 0 : i32
    %dma_start3A_258 = arith.constant 0 : i32
    %dma_start3A_259 = tpu.memref_slice %arg8[%dma_start3A_257, %dma_start3A_258] : memref<1024x128xf32, #tpu.memory_space<vmem_shared>> -> memref<1024x128xf32, #tpu.memory_space<vmem_shared>>
    tpu.enqueue_indirect_dma source(%dma_start3A_253 : memref<128x128xf32, #tpu.memory_space<vmem>>) target(%dma_start3A_259 : memref<1024x128xf32, #tpu.memory_space<vmem_shared>>) offsets(%dma_start3A_256 : memref<128xi32, #tpu.memory_space<vmem>>) semaphore(%arg11 : memref<!tpu.dma_semaphore, #tpu.memory_space<semaphore_mem>>) {add = true}
    %dma_wait3A_260 = arith.constant 128 : i32
    %dma_wait3A_261 = arith.constant 0 : i32
    %dma_wait3A_262 = tpu.memref_slice %arg6[%dma_wait3A_260, %dma_wait3A_261] : memref<512x128xf32, #tpu.memory_space<vmem>> -> memref<64x128xf32, #tpu.memory_space<vmem>>
    %dma_wait3A_263 = arith.constant 0 : i32
    %dma_wait3A_264 = tpu.memref_slice %arg2[%add3A_71, %dma_wait3A_263] : memref<16384x128xf32, #tpu.memory_space<hbm>> -> memref<64x128xf32, #tpu.memory_space<hbm>>
    %dma_wait3A_265 = arith.constant 128 : i32
    %dma_wait3A_266 = arith.constant 0 : i32
    %dma_wait3A_267 = tpu.memref_slice %arg6[%dma_wait3A_265, %dma_wait3A_266] : memref<512x128xf32, #tpu.memory_space<vmem>> -> memref<64x128xf32, #tpu.memory_space<vmem>>
    %dma_wait3A_268 = arith.constant 0 : i32
    %dma_wait3A_269 = tpu.memref_slice %arg2[%add3A_71, %dma_wait3A_268] : memref<16384x128xf32, #tpu.memory_space<hbm>> -> memref<64x128xf32, #tpu.memory_space<hbm>>
    tpu.wait_dma2 semaphore(%arg14 : memref<!tpu.dma_semaphore, #tpu.memory_space<semaphore_mem>>) src(%dma_wait3A_269 : memref<64x128xf32, #tpu.memory_space<hbm>>) dst(%dma_wait3A_267 : memref<64x128xf32, #tpu.memory_space<vmem>>)
    %dma_wait3A_270 = arith.constant 192 : i32
    %dma_wait3A_271 = arith.constant 0 : i32
    %dma_wait3A_272 = tpu.memref_slice %arg6[%dma_wait3A_270, %dma_wait3A_271] : memref<512x128xf32, #tpu.memory_space<vmem>> -> memref<64x128xf32, #tpu.memory_space<vmem>>
    %dma_wait3A_273 = arith.constant 0 : i32
    %dma_wait3A_274 = tpu.memref_slice %arg2[%add3A_83, %dma_wait3A_273] : memref<16384x128xf32, #tpu.memory_space<hbm>> -> memref<64x128xf32, #tpu.memory_space<hbm>>
    %dma_wait3A_275 = arith.constant 192 : i32
    %dma_wait3A_276 = arith.constant 0 : i32
    %dma_wait3A_277 = tpu.memref_slice %arg6[%dma_wait3A_275, %dma_wait3A_276] : memref<512x128xf32, #tpu.memory_space<vmem>> -> memref<64x128xf32, #tpu.memory_space<vmem>>
    %dma_wait3A_278 = arith.constant 0 : i32
    %dma_wait3A_279 = tpu.memref_slice %arg2[%add3A_83, %dma_wait3A_278] : memref<16384x128xf32, #tpu.memory_space<hbm>> -> memref<64x128xf32, #tpu.memory_space<hbm>>
    tpu.wait_dma2 semaphore(%arg15 : memref<!tpu.dma_semaphore, #tpu.memory_space<semaphore_mem>>) src(%dma_wait3A_279 : memref<64x128xf32, #tpu.memory_space<hbm>>) dst(%dma_wait3A_277 : memref<64x128xf32, #tpu.memory_space<vmem>>)
    %dma_start3A_280 = arith.constant 1 : i32
    %dma_start3A_281 = arith.constant 128 : i32
    %dma_start3A_282 = arith.constant 0 : i32
    %dma_start3A_283 = tpu.memref_slice %arg6[%dma_start3A_281, %dma_start3A_282] : memref<512x128xf32, #tpu.memory_space<vmem>> -> memref<128x128xf32, #tpu.memory_space<vmem>>
    %dma_start3A_284 = arith.constant 0 : i32
    %dma_start3A_285 = tpu.memref_slice %arg5[%dma_start3A_280, %dma_start3A_284] : memref<4x128xi32, #tpu.memory_space<vmem>> -> memref<1x128xi32, #tpu.memory_space<vmem>>
    %dma_start3A_286 = tpu.memref_squeeze %dma_start3A_285 : memref<1x128xi32, #tpu.memory_space<vmem>> -> memref<128xi32, #tpu.memory_space<vmem>>
    %dma_start3A_287 = arith.constant 0 : i32
    %dma_start3A_288 = arith.constant 0 : i32
    %dma_start3A_289 = tpu.memref_slice %arg8[%dma_start3A_287, %dma_start3A_288] : memref<1024x128xf32, #tpu.memory_space<vmem_shared>> -> memref<1024x128xf32, #tpu.memory_space<vmem_shared>>
    tpu.enqueue_indirect_dma source(%dma_start3A_283 : memref<128x128xf32, #tpu.memory_space<vmem>>) target(%dma_start3A_289 : memref<1024x128xf32, #tpu.memory_space<vmem_shared>>) offsets(%dma_start3A_286 : memref<128xi32, #tpu.memory_space<vmem>>) semaphore(%arg11 : memref<!tpu.dma_semaphore, #tpu.memory_space<semaphore_mem>>) {add = true}
    %dma_wait3A_290 = arith.constant 256 : i32
    %dma_wait3A_291 = arith.constant 0 : i32
    %dma_wait3A_292 = tpu.memref_slice %arg6[%dma_wait3A_290, %dma_wait3A_291] : memref<512x128xf32, #tpu.memory_space<vmem>> -> memref<64x128xf32, #tpu.memory_space<vmem>>
    %dma_wait3A_293 = arith.constant 0 : i32
    %dma_wait3A_294 = tpu.memref_slice %arg2[%add3A_95, %dma_wait3A_293] : memref<16384x128xf32, #tpu.memory_space<hbm>> -> memref<64x128xf32, #tpu.memory_space<hbm>>
    %dma_wait3A_295 = arith.constant 256 : i32
    %dma_wait3A_296 = arith.constant 0 : i32
    %dma_wait3A_297 = tpu.memref_slice %arg6[%dma_wait3A_295, %dma_wait3A_296] : memref<512x128xf32, #tpu.memory_space<vmem>> -> memref<64x128xf32, #tpu.memory_space<vmem>>
    %dma_wait3A_298 = arith.constant 0 : i32
    %dma_wait3A_299 = tpu.memref_slice %arg2[%add3A_95, %dma_wait3A_298] : memref<16384x128xf32, #tpu.memory_space<hbm>> -> memref<64x128xf32, #tpu.memory_space<hbm>>
    tpu.wait_dma2 semaphore(%arg16 : memref<!tpu.dma_semaphore, #tpu.memory_space<semaphore_mem>>) src(%dma_wait3A_299 : memref<64x128xf32, #tpu.memory_space<hbm>>) dst(%dma_wait3A_297 : memref<64x128xf32, #tpu.memory_space<vmem>>)
    %dma_wait3A_300 = arith.constant 320 : i32
    %dma_wait3A_301 = arith.constant 0 : i32
    %dma_wait3A_302 = tpu.memref_slice %arg6[%dma_wait3A_300, %dma_wait3A_301] : memref<512x128xf32, #tpu.memory_space<vmem>> -> memref<64x128xf32, #tpu.memory_space<vmem>>
    %dma_wait3A_303 = arith.constant 0 : i32
    %dma_wait3A_304 = tpu.memref_slice %arg2[%add3A_107, %dma_wait3A_303] : memref<16384x128xf32, #tpu.memory_space<hbm>> -> memref<64x128xf32, #tpu.memory_space<hbm>>
    %dma_wait3A_305 = arith.constant 320 : i32
    %dma_wait3A_306 = arith.constant 0 : i32
    %dma_wait3A_307 = tpu.memref_slice %arg6[%dma_wait3A_305, %dma_wait3A_306] : memref<512x128xf32, #tpu.memory_space<vmem>> -> memref<64x128xf32, #tpu.memory_space<vmem>>
    %dma_wait3A_308 = arith.constant 0 : i32
    %dma_wait3A_309 = tpu.memref_slice %arg2[%add3A_107, %dma_wait3A_308] : memref<16384x128xf32, #tpu.memory_space<hbm>> -> memref<64x128xf32, #tpu.memory_space<hbm>>
    tpu.wait_dma2 semaphore(%arg17 : memref<!tpu.dma_semaphore, #tpu.memory_space<semaphore_mem>>) src(%dma_wait3A_309 : memref<64x128xf32, #tpu.memory_space<hbm>>) dst(%dma_wait3A_307 : memref<64x128xf32, #tpu.memory_space<vmem>>)
    %dma_start3A_310 = arith.constant 2 : i32
    %dma_start3A_311 = arith.constant 256 : i32
    %dma_start3A_312 = arith.constant 0 : i32
    %dma_start3A_313 = tpu.memref_slice %arg6[%dma_start3A_311, %dma_start3A_312] : memref<512x128xf32, #tpu.memory_space<vmem>> -> memref<128x128xf32, #tpu.memory_space<vmem>>
    %dma_start3A_314 = arith.constant 0 : i32
    %dma_start3A_315 = tpu.memref_slice %arg5[%dma_start3A_310, %dma_start3A_314] : memref<4x128xi32, #tpu.memory_space<vmem>> -> memref<1x128xi32, #tpu.memory_space<vmem>>
    %dma_start3A_316 = tpu.memref_squeeze %dma_start3A_315 : memref<1x128xi32, #tpu.memory_space<vmem>> -> memref<128xi32, #tpu.memory_space<vmem>>
    %dma_start3A_317 = arith.constant 0 : i32
    %dma_start3A_318 = arith.constant 0 : i32
    %dma_start3A_319 = tpu.memref_slice %arg8[%dma_start3A_317, %dma_start3A_318] : memref<1024x128xf32, #tpu.memory_space<vmem_shared>> -> memref<1024x128xf32, #tpu.memory_space<vmem_shared>>
    tpu.enqueue_indirect_dma source(%dma_start3A_313 : memref<128x128xf32, #tpu.memory_space<vmem>>) target(%dma_start3A_319 : memref<1024x128xf32, #tpu.memory_space<vmem_shared>>) offsets(%dma_start3A_316 : memref<128xi32, #tpu.memory_space<vmem>>) semaphore(%arg11 : memref<!tpu.dma_semaphore, #tpu.memory_space<semaphore_mem>>) {add = true}
    %dma_wait3A_320 = arith.constant 384 : i32
    %dma_wait3A_321 = arith.constant 0 : i32
    %dma_wait3A_322 = tpu.memref_slice %arg6[%dma_wait3A_320, %dma_wait3A_321] : memref<512x128xf32, #tpu.memory_space<vmem>> -> memref<64x128xf32, #tpu.memory_space<vmem>>
    %dma_wait3A_323 = arith.constant 0 : i32
    %dma_wait3A_324 = tpu.memref_slice %arg2[%add3A_119, %dma_wait3A_323] : memref<16384x128xf32, #tpu.memory_space<hbm>> -> memref<64x128xf32, #tpu.memory_space<hbm>>
    %dma_wait3A_325 = arith.constant 384 : i32
    %dma_wait3A_326 = arith.constant 0 : i32
    %dma_wait3A_327 = tpu.memref_slice %arg6[%dma_wait3A_325, %dma_wait3A_326] : memref<512x128xf32, #tpu.memory_space<vmem>> -> memref<64x128xf32, #tpu.memory_space<vmem>>
    %dma_wait3A_328 = arith.constant 0 : i32
    %dma_wait3A_329 = tpu.memref_slice %arg2[%add3A_119, %dma_wait3A_328] : memref<16384x128xf32, #tpu.memory_space<hbm>> -> memref<64x128xf32, #tpu.memory_space<hbm>>
    tpu.wait_dma2 semaphore(%arg18 : memref<!tpu.dma_semaphore, #tpu.memory_space<semaphore_mem>>) src(%dma_wait3A_329 : memref<64x128xf32, #tpu.memory_space<hbm>>) dst(%dma_wait3A_327 : memref<64x128xf32, #tpu.memory_space<vmem>>)
    %dma_wait3A_330 = arith.constant 448 : i32
    %dma_wait3A_331 = arith.constant 0 : i32
    %dma_wait3A_332 = tpu.memref_slice %arg6[%dma_wait3A_330, %dma_wait3A_331] : memref<512x128xf32, #tpu.memory_space<vmem>> -> memref<64x128xf32, #tpu.memory_space<vmem>>
    %dma_wait3A_333 = arith.constant 0 : i32
    %dma_wait3A_334 = tpu.memref_slice %arg2[%add3A_131, %dma_wait3A_333] : memref<16384x128xf32, #tpu.memory_space<hbm>> -> memref<64x128xf32, #tpu.memory_space<hbm>>
    %dma_wait3A_335 = arith.constant 448 : i32
    %dma_wait3A_336 = arith.constant 0 : i32
    %dma_wait3A_337 = tpu.memref_slice %arg6[%dma_wait3A_335, %dma_wait3A_336] : memref<512x128xf32, #tpu.memory_space<vmem>> -> memref<64x128xf32, #tpu.memory_space<vmem>>
    %dma_wait3A_338 = arith.constant 0 : i32
    %dma_wait3A_339 = tpu.memref_slice %arg2[%add3A_131, %dma_wait3A_338] : memref<16384x128xf32, #tpu.memory_space<hbm>> -> memref<64x128xf32, #tpu.memory_space<hbm>>
    tpu.wait_dma2 semaphore(%arg19 : memref<!tpu.dma_semaphore, #tpu.memory_space<semaphore_mem>>) src(%dma_wait3A_339 : memref<64x128xf32, #tpu.memory_space<hbm>>) dst(%dma_wait3A_337 : memref<64x128xf32, #tpu.memory_space<vmem>>)
    %dma_start3A_340 = arith.constant 3 : i32
    %dma_start3A_341 = arith.constant 384 : i32
    %dma_start3A_342 = arith.constant 0 : i32
    %dma_start3A_343 = tpu.memref_slice %arg6[%dma_start3A_341, %dma_start3A_342] : memref<512x128xf32, #tpu.memory_space<vmem>> -> memref<128x128xf32, #tpu.memory_space<vmem>>
    %dma_start3A_344 = arith.constant 0 : i32
    %dma_start3A_345 = tpu.memref_slice %arg5[%dma_start3A_340, %dma_start3A_344] : memref<4x128xi32, #tpu.memory_space<vmem>> -> memref<1x128xi32, #tpu.memory_space<vmem>>
    %dma_start3A_346 = tpu.memref_squeeze %dma_start3A_345 : memref<1x128xi32, #tpu.memory_space<vmem>> -> memref<128xi32, #tpu.memory_space<vmem>>
    %dma_start3A_347 = arith.constant 0 : i32
    %dma_start3A_348 = arith.constant 0 : i32
    %dma_start3A_349 = tpu.memref_slice %arg8[%dma_start3A_347, %dma_start3A_348] : memref<1024x128xf32, #tpu.memory_space<vmem_shared>> -> memref<1024x128xf32, #tpu.memory_space<vmem_shared>>
    tpu.enqueue_indirect_dma source(%dma_start3A_343 : memref<128x128xf32, #tpu.memory_space<vmem>>) target(%dma_start3A_349 : memref<1024x128xf32, #tpu.memory_space<vmem_shared>>) offsets(%dma_start3A_346 : memref<128xi32, #tpu.memory_space<vmem>>) semaphore(%arg11 : memref<!tpu.dma_semaphore, #tpu.memory_space<semaphore_mem>>) {add = true}
    %dma_wait3A_350 = arith.constant 0 : i32
    %dma_wait3A_351 = arith.constant 0 : i32
    %dma_wait3A_352 = arith.constant 0 : i32
    %dma_wait3A_353 = tpu.memref_slice %arg6[%dma_wait3A_351, %dma_wait3A_352] : memref<512x128xf32, #tpu.memory_space<vmem>> -> memref<128x128xf32, #tpu.memory_space<vmem>>
    %dma_wait3A_354 = arith.constant 0 : i32
    %dma_wait3A_355 = tpu.memref_slice %arg5[%dma_wait3A_350, %dma_wait3A_354] : memref<4x128xi32, #tpu.memory_space<vmem>> -> memref<1x128xi32, #tpu.memory_space<vmem>>
    %dma_wait3A_356 = tpu.memref_squeeze %dma_wait3A_355 : memref<1x128xi32, #tpu.memory_space<vmem>> -> memref<128xi32, #tpu.memory_space<vmem>>
    %dma_wait3A_357 = arith.constant 0 : i32
    %dma_wait3A_358 = arith.constant 0 : i32
    %dma_wait3A_359 = tpu.memref_slice %arg8[%dma_wait3A_357, %dma_wait3A_358] : memref<1024x128xf32, #tpu.memory_space<vmem_shared>> -> memref<1024x128xf32, #tpu.memory_space<vmem_shared>>
    tpu.wait_indirect_dma semaphore(%arg11 : memref<!tpu.dma_semaphore, #tpu.memory_space<semaphore_mem>>) src(%dma_wait3A_353 : memref<128x128xf32, #tpu.memory_space<vmem>>) dst(%dma_wait3A_359 : memref<1024x128xf32, #tpu.memory_space<vmem_shared>>)
    %dma_wait3A_360 = arith.constant 1 : i32
    %dma_wait3A_361 = arith.constant 128 : i32
    %dma_wait3A_362 = arith.constant 0 : i32
    %dma_wait3A_363 = tpu.memref_slice %arg6[%dma_wait3A_361, %dma_wait3A_362] : memref<512x128xf32, #tpu.memory_space<vmem>> -> memref<128x128xf32, #tpu.memory_space<vmem>>
    %dma_wait3A_364 = arith.constant 0 : i32
    %dma_wait3A_365 = tpu.memref_slice %arg5[%dma_wait3A_360, %dma_wait3A_364] : memref<4x128xi32, #tpu.memory_space<vmem>> -> memref<1x128xi32, #tpu.memory_space<vmem>>
    %dma_wait3A_366 = tpu.memref_squeeze %dma_wait3A_365 : memref<1x128xi32, #tpu.memory_space<vmem>> -> memref<128xi32, #tpu.memory_space<vmem>>
    %dma_wait3A_367 = arith.constant 0 : i32
    %dma_wait3A_368 = arith.constant 0 : i32
    %dma_wait3A_369 = tpu.memref_slice %arg8[%dma_wait3A_367, %dma_wait3A_368] : memref<1024x128xf32, #tpu.memory_space<vmem_shared>> -> memref<1024x128xf32, #tpu.memory_space<vmem_shared>>
    tpu.wait_indirect_dma semaphore(%arg11 : memref<!tpu.dma_semaphore, #tpu.memory_space<semaphore_mem>>) src(%dma_wait3A_363 : memref<128x128xf32, #tpu.memory_space<vmem>>) dst(%dma_wait3A_369 : memref<1024x128xf32, #tpu.memory_space<vmem_shared>>)
    %dma_wait3A_370 = arith.constant 2 : i32
    %dma_wait3A_371 = arith.constant 256 : i32
    %dma_wait3A_372 = arith.constant 0 : i32
    %dma_wait3A_373 = tpu.memref_slice %arg6[%dma_wait3A_371, %dma_wait3A_372] : memref<512x128xf32, #tpu.memory_space<vmem>> -> memref<128x128xf32, #tpu.memory_space<vmem>>
    %dma_wait3A_374 = arith.constant 0 : i32
    %dma_wait3A_375 = tpu.memref_slice %arg5[%dma_wait3A_370, %dma_wait3A_374] : memref<4x128xi32, #tpu.memory_space<vmem>> -> memref<1x128xi32, #tpu.memory_space<vmem>>
    %dma_wait3A_376 = tpu.memref_squeeze %dma_wait3A_375 : memref<1x128xi32, #tpu.memory_space<vmem>> -> memref<128xi32, #tpu.memory_space<vmem>>
    %dma_wait3A_377 = arith.constant 0 : i32
    %dma_wait3A_378 = arith.constant 0 : i32
    %dma_wait3A_379 = tpu.memref_slice %arg8[%dma_wait3A_377, %dma_wait3A_378] : memref<1024x128xf32, #tpu.memory_space<vmem_shared>> -> memref<1024x128xf32, #tpu.memory_space<vmem_shared>>
    tpu.wait_indirect_dma semaphore(%arg11 : memref<!tpu.dma_semaphore, #tpu.memory_space<semaphore_mem>>) src(%dma_wait3A_373 : memref<128x128xf32, #tpu.memory_space<vmem>>) dst(%dma_wait3A_379 : memref<1024x128xf32, #tpu.memory_space<vmem_shared>>)
    %dma_wait3A_380 = arith.constant 3 : i32
    %dma_wait3A_381 = arith.constant 384 : i32
    %dma_wait3A_382 = arith.constant 0 : i32
    %dma_wait3A_383 = tpu.memref_slice %arg6[%dma_wait3A_381, %dma_wait3A_382] : memref<512x128xf32, #tpu.memory_space<vmem>> -> memref<128x128xf32, #tpu.memory_space<vmem>>
    %dma_wait3A_384 = arith.constant 0 : i32
    %dma_wait3A_385 = tpu.memref_slice %arg5[%dma_wait3A_380, %dma_wait3A_384] : memref<4x128xi32, #tpu.memory_space<vmem>> -> memref<1x128xi32, #tpu.memory_space<vmem>>
    %dma_wait3A_386 = tpu.memref_squeeze %dma_wait3A_385 : memref<1x128xi32, #tpu.memory_space<vmem>> -> memref<128xi32, #tpu.memory_space<vmem>>
    %dma_wait3A_387 = arith.constant 0 : i32
    %dma_wait3A_388 = arith.constant 0 : i32
    %dma_wait3A_389 = tpu.memref_slice %arg8[%dma_wait3A_387, %dma_wait3A_388] : memref<1024x128xf32, #tpu.memory_space<vmem_shared>> -> memref<1024x128xf32, #tpu.memory_space<vmem_shared>>
    tpu.wait_indirect_dma semaphore(%arg11 : memref<!tpu.dma_semaphore, #tpu.memory_space<semaphore_mem>>) src(%dma_wait3A_383 : memref<128x128xf32, #tpu.memory_space<vmem>>) dst(%dma_wait3A_389 : memref<1024x128xf32, #tpu.memory_space<vmem_shared>>)
    %barrier3A_390 = arith.constant 0 : index
    tpu.barrier barrier_id(%barrier3A_390)
    %lt3A = arith.constant 15 : i32
    %lt3A_391 = arith.cmpi slt, %arg1, %lt3A : i32
    %convert_element_type3A = arith.extui %lt3A_391 : i1 to i32
    %cond3A = arith.constant 0 : i32
    %cond3A_392 = arith.cmpi ne, %convert_element_type3A, %cond3A : i32
    scf.if %cond3A_392 {
      %mul3A_397 = arith.constant 64 : i32
      %mul3A_398 = arith.muli %arg1, %mul3A_397 : i32
      %mul3A_399 = arith.constant 64 : i32
      %mul3A_400 = arith.muli %arg1, %mul3A_399 : i32
      "tpu.region"() ({
        %run_scoped3A = tpu.sem_alloc : memref<!tpu.dma_semaphore, #tpu.memory_space<semaphore_mem>>
        %dma_start3A_401 = arith.constant 0 : i32
        %dma_start3A_402 = tpu.memref_slice %arg4[%arg0, %mul3A_400, %dma_start3A_401] : memref<2x1000x128xf32, #tpu.memory_space<hbm>> -> memref<1x64x128xf32, #tpu.memory_space<hbm>>
        %dma_start3A_403 = tpu.memref_squeeze %dma_start3A_402 : memref<1x64x128xf32, #tpu.memory_space<hbm>> -> memref<64x128xf32, #tpu.memory_space<hbm>>
        %dma_start3A_404 = arith.constant 0 : i32
        %dma_start3A_405 = tpu.memref_slice %arg8[%mul3A_398, %dma_start3A_404] : memref<1024x128xf32, #tpu.memory_space<vmem_shared>> -> memref<64x128xf32, #tpu.memory_space<vmem_shared>>
        tpu.enqueue_dma source(%dma_start3A_405 : memref<64x128xf32, #tpu.memory_space<vmem_shared>>) target(%dma_start3A_403 : memref<64x128xf32, #tpu.memory_space<hbm>>) target_semaphore(%run_scoped3A : memref<!tpu.dma_semaphore, #tpu.memory_space<semaphore_mem>>)
        %dma_wait3A_406 = arith.constant 0 : i32
        %dma_wait3A_407 = tpu.memref_slice %arg4[%arg0, %mul3A_400, %dma_wait3A_406] : memref<2x1000x128xf32, #tpu.memory_space<hbm>> -> memref<1x64x128xf32, #tpu.memory_space<hbm>>
        %dma_wait3A_408 = tpu.memref_squeeze %dma_wait3A_407 : memref<1x64x128xf32, #tpu.memory_space<hbm>> -> memref<64x128xf32, #tpu.memory_space<hbm>>
        %dma_wait3A_409 = arith.constant 0 : i32
        %dma_wait3A_410 = tpu.memref_slice %arg8[%mul3A_398, %dma_wait3A_409] : memref<1024x128xf32, #tpu.memory_space<vmem_shared>> -> memref<64x128xf32, #tpu.memory_space<vmem_shared>>
        tpu.wait_dma2 semaphore(%run_scoped3A : memref<!tpu.dma_semaphore, #tpu.memory_space<semaphore_mem>>) src(%dma_wait3A_410 : memref<64x128xf32, #tpu.memory_space<vmem_shared>>) dst(%dma_wait3A_408 : memref<64x128xf32, #tpu.memory_space<hbm>>)
        tpu.yield
      }) : () -> ()
    } else {
    }
    %eq3A = arith.constant 15 : i32
    %eq3A_393 = arith.cmpi eq, %arg1, %eq3A : i32
    %convert_element_type3A_394 = arith.extui %eq3A_393 : i1 to i32
    %cond3A_395 = arith.constant 0 : i32
    %cond3A_396 = arith.cmpi ne, %convert_element_type3A_394, %cond3A_395 : i32
    scf.if %cond3A_396 {
      "tpu.region"() ({
        %run_scoped3A = tpu.sem_alloc : memref<!tpu.dma_semaphore, #tpu.memory_space<semaphore_mem>>
        %dma_start3A_397 = arith.constant 960 : i32
        %dma_start3A_398 = arith.constant 0 : i32
        %dma_start3A_399 = tpu.memref_slice %arg4[%arg0, %dma_start3A_397, %dma_start3A_398] : memref<2x1000x128xf32, #tpu.memory_space<hbm>> -> memref<1x40x128xf32, #tpu.memory_space<hbm>>
        %dma_start3A_400 = tpu.memref_squeeze %dma_start3A_399 : memref<1x40x128xf32, #tpu.memory_space<hbm>> -> memref<40x128xf32, #tpu.memory_space<hbm>>
        %dma_start3A_401 = arith.constant 960 : i32
        %dma_start3A_402 = arith.constant 0 : i32
        %dma_start3A_403 = tpu.memref_slice %arg8[%dma_start3A_401, %dma_start3A_402] : memref<1024x128xf32, #tpu.memory_space<vmem_shared>> -> memref<40x128xf32, #tpu.memory_space<vmem_shared>>
        tpu.enqueue_dma source(%dma_start3A_403 : memref<40x128xf32, #tpu.memory_space<vmem_shared>>) target(%dma_start3A_400 : memref<40x128xf32, #tpu.memory_space<hbm>>) target_semaphore(%run_scoped3A : memref<!tpu.dma_semaphore, #tpu.memory_space<semaphore_mem>>)
        %dma_wait3A_404 = arith.constant 960 : i32
        %dma_wait3A_405 = arith.constant 0 : i32
        %dma_wait3A_406 = tpu.memref_slice %arg4[%arg0, %dma_wait3A_404, %dma_wait3A_405] : memref<2x1000x128xf32, #tpu.memory_space<hbm>> -> memref<1x40x128xf32, #tpu.memory_space<hbm>>
        %dma_wait3A_407 = tpu.memref_squeeze %dma_wait3A_406 : memref<1x40x128xf32, #tpu.memory_space<hbm>> -> memref<40x128xf32, #tpu.memory_space<hbm>>
        %dma_wait3A_408 = arith.constant 960 : i32
        %dma_wait3A_409 = arith.constant 0 : i32
        %dma_wait3A_410 = tpu.memref_slice %arg8[%dma_wait3A_408, %dma_wait3A_409] : memref<1024x128xf32, #tpu.memory_space<vmem_shared>> -> memref<40x128xf32, #tpu.memory_space<vmem_shared>>
        tpu.wait_dma2 semaphore(%run_scoped3A : memref<!tpu.dma_semaphore, #tpu.memory_space<semaphore_mem>>) src(%dma_wait3A_410 : memref<40x128xf32, #tpu.memory_space<vmem_shared>>) dst(%dma_wait3A_407 : memref<40x128xf32, #tpu.memory_space<hbm>>)
        tpu.yield
      }) : () -> ()
    } else {
    }
    return
  }
}

module attributes {stable_mosaic.version = 14 : i64} {
  func.func @_combine_body(%arg0: memref<1000x128xf32, #tpu.memory_space<vmem>>, %arg1: memref<2x1000x128xf32, #tpu.memory_space<vmem>>, %arg2: memref<1000x128xf32, #tpu.memory_space<vmem>>) attributes {dimension_semantics = [], scalar_prefetch = 0 : i64, scratch_operands = 0 : i64, tpu.core_type = #tpu.core_type<tc>} {
    %get3A = arith.constant 0 : index
    %get3A_0 = arith.constant 0 : index
    %get3A_1 = vector.load %arg0[%get3A, %get3A_0] : memref<1000x128xf32, #tpu.memory_space<vmem>>, vector<1000x128xf32>
    %get3A_2 = arith.constant 0 : index
    %get3A_3 = arith.constant 0 : index
    %get3A_4 = arith.constant 0 : index
    %get3A_5 = vector.load %arg1[%get3A_2, %get3A_3, %get3A_4] : memref<2x1000x128xf32, #tpu.memory_space<vmem>>, vector<1x1000x128xf32>
    %get3A_6 = vector.shape_cast %get3A_5 : vector<1x1000x128xf32> to vector<1000x128xf32>
    %get3A_7 = arith.constant 1 : index
    %get3A_8 = arith.constant 0 : index
    %get3A_9 = arith.constant 0 : index
    %get3A_10 = vector.load %arg1[%get3A_7, %get3A_8, %get3A_9] : memref<2x1000x128xf32, #tpu.memory_space<vmem>>, vector<1x1000x128xf32>
    %get3A_11 = vector.shape_cast %get3A_10 : vector<1x1000x128xf32> to vector<1000x128xf32>
    %add3A = arith.addf %get3A_6, %get3A_11 : vector<1000x128xf32>
    %abs3A = math.absf %get3A_1 : vector<1000x128xf32>
    %reduce_sum3A = vector.shape_cast %abs3A : vector<1000x128xf32> to vector<1x1000x128xf32>
    %reduce_sum3A_12 = arith.constant dense<0.000000e+00> : vector<1xf32>
    %reduce_sum3A_13 = vector.multi_reduction <add>, %reduce_sum3A, %reduce_sum3A_12 [1, 2] : vector<1x1000x128xf32> to vector<1xf32>
    %reduce_sum3A_14 = vector.shape_cast %reduce_sum3A_13 : vector<1xf32> to vector<1x1x1xf32>
    %reduce_sum3A_15 = vector.extract %reduce_sum3A_14[0, 0, 0] : f32 from vector<1x1x1xf32>
    %eq3A = arith.constant 0.000000e+00 : f32
    %eq3A_16 = arith.cmpf oeq, %reduce_sum3A_15, %eq3A : f32
    %add3A_17 = arith.addf %get3A_1, %add3A : vector<1000x128xf32>
    %mul3A = arith.constant 9.900000e-01 : f32
    %mul3A_18 = vector.broadcast %mul3A : f32 to vector<1000x128xf32>
    %mul3A_19 = arith.mulf %mul3A_18, %get3A_1 : vector<1000x128xf32>
    %mul3A_20 = arith.constant 0.00999999977 : f32
    %mul3A_21 = vector.broadcast %mul3A_20 : f32 to vector<1000x128xf32>
    %mul3A_22 = arith.mulf %mul3A_21, %add3A : vector<1000x128xf32>
    %add3A_23 = arith.addf %mul3A_19, %mul3A_22 : vector<1000x128xf32>
    %select_n3A = arith.select %eq3A_16, %add3A_17, %add3A_23 : vector<1000x128xf32>
    %swap3A = arith.constant 0 : index
    %swap3A_24 = arith.constant 0 : index
    %swap3A_25 = vector.load %arg2[%swap3A, %swap3A_24] : memref<1000x128xf32, #tpu.memory_space<vmem>>, vector<1000x128xf32>
    tpu.vector_store %arg2[%swap3A, %swap3A_24], %select_n3A {strides = array<i32>} : memref<1000x128xf32, #tpu.memory_space<vmem>>, vector<1000x128xf32>,
    return
  }
}

</mosaic_0001>

<sc_bundles>
// kernel: kernel.4.cloned.1.call-start
scs
__scs_entry_jumppad:
0x0: {  	(pc) =	sbr.rel $0x88, $3  }
0x1: {  	(tag) =	ssettag $0x0;
	lr =	simm.s32 $0x1  }
0x2: {  	[smem:$0x3F9E] =	sst lr;
	_ =	strace $0xD0000000  }
0x3: {  	_ = 	snop  }
0x4: {  	_ = 	snop  }
0x5: {  	_ = 	snop  }
0x6: {  	_ = 	snop  }
0x7: {  	_ = 	snop  }
__scs_overlays_trampoline_lowered:
0x8: {  	[smem:$0x3FAD] =	sst s0  }
0x9: {  	[smem:$0x3FAE] =	sst s1  }
0xa: {  	[smem:$0x3FAF] =	sst s2  }
0xb: {  	[smem:$0x3FB0] =	sst s3  }
0xc: {  	[smem:$0x3FB1] =	sst s4  }
0xd: {  	[smem:$0x3FB2] =	sst s5  }
0xe: {  	[smem:$0x3FB3] =	sst s6  }
0xf: {  	[smem:$0x3FB4] =	sst s7  }
0x10: {  	[smem:$0x3FB5] =	sst s8  }
0x11: {  	[smem:$0x3FB6] =	sst s9;
	s0 =	simm.s32 @!p0 $0x0  }
0x12: {  	s1 =	sld [smem:$0x3F9C];
	s0 =	simm.s32 @p0 $0x1  }
0x13: {  	[smem:$0x3FB7] =	sst s0;
	s0 =	simm.s32 @!p1 $0x0  }
0x14: {  	s2 =	sld [smem:$0x3F9B];
	s0 =	simm.s32 @p1 $0x1  }
0x15: {  	[smem:$0x3FB8] =	sst s0;
	s0 =	simm.s32 @!p2 $0x0  }
0x16: {  	s3 =	sld [smem:$0x3FDB];
	s0 =	simm.s32 @p2 $0x1  }
0x17: {  	s4 =	simm.s32 $0x1BF5;
	[smem:$0x3FBA] =	sst s0  }
0x18: {  	s0 =	sld [smem:$0x3F9D];
	_ =	swait.ge [sflag:s4], $0x0  }
0x19: {  	s7 =	sld [smem:$0x3F9E]  }
0x1a: {  	s8 =	sadd.s32 $0xFFFFE003, lr  }
0x1b: {  	s9 =	sadd.s32 $0xFFFFFEF7, lr;
	s5 =	simm.s32 $0xFFFFFFFF;
	p2 =	slt.u32 s8, $0xFFFFF086  }
0x1c: {  	p1 =	slt.u32 s9, $0xF7A;
	s5 =	simm.s32 @!p2 $0x0  }
0x1d: {  	s5 =	simm.s32 @p1 $0x1;
	p0 =	seq.s32 s7, s2  }
0x1e: {  	s7 =	smul.u32 @!p0 $0xF7A, s2;
	p2 =	seq.s32 @!p0 s5, $0x0  }
0x1f: {  	s9 =	smul.u32 $0xF7A, s1;
	s8 =	simm.s32 @!p0 $0x1BF5;
	p2 =	por !p2, p0  }
0x20: {  	[sflag:s8] =	ssyncset.s32 @!p0 $0xFFFFF086;
	s6 =	sadd.s32 @!p0 s3, s7;
	s7 =	simm.s32 @!p0 $0x108  }
0x21: {  	s3 =	sadd.s32 s3, s9;
	s6 =	sadd.s32 @!p0 $0x88, s6;
	s7 =	simm.s32 @p2 $0x1082  }
0x22: {  	[simem:s7], [sflag:s8] =	dma.local @!p0 [hbm:s6], $0xF7A  }
0x23: {  	s9 =	sor.u32 $0xD0000000, s2;
	s6 =	simm.s32 $0x108;
	_ =	swait.ge @!p0 [sflag:s8], $0x0  }
0x24: {  	s3 =	sadd.s32 $0x88, s3;
	s6 =	simm.s32 @!p1 $0x1082;
	[sflag:s4] =	ssyncset.s32 $0xFFFFF086  }
0x25: {  	[simem:s6], [sflag:s4] =	dma.local [hbm:s3], $0xF7A  }
0x26: {  	[smem:$0x3F9E] =	sst s1;
	(tag) =	ssettag s2;
	_ =	strace s9  }
0x27: {  	s1 =	sld [smem:$0x3FAE]  }
0x28: {  	s2 =	sld [smem:$0x3FAF]  }
0x29: {  	s4 =	sld [smem:$0x3FB1]  }
0x2a: {  	p0 =	seq.s32 s5, $0x0;
	s5 =	sld [smem:$0x3FB2]  }
0x2b: {  	s6 =	sld [smem:$0x3FB3]  }
0x2c: {  	s7 =	sld [smem:$0x3FB4]  }
0x2d: {  	s3 =	simm.s32 $0x108;
	s8 =	sld [smem:$0x3FB5]  }
0x2e: {  	s3 =	simm.s32 @!p0 $0x1082;
	s9 =	sld [smem:$0x3FB6]  }
0x2f: {  	lr =	sadd.s32 s0, s3;
	s0 =	sld [smem:$0x3FAD]  }
0x30: {  	s3 =	sld [smem:$0x3FB0]  }
0x31: {  	[smem:$0x3FB9] =	sst s10  }
0x32: {  	s10 =	sld [smem:$0x3FB7];
	_ =	sdelay $0x3  }
0x33: {  	p0 =	seq.s32 s10, $0x1;
	s10 =	sld [smem:$0x3FB9];
	_ =	sdelay $0x3  }
0x34: {  	[smem:$0x3FB9] =	sst s10  }
0x35: {  	s10 =	sld [smem:$0x3FB8];
	_ =	sdelay $0x3  }
0x36: {  	p1 =	seq.s32 s10, $0x1;
	s10 =	sld [smem:$0x3FB9];
	_ =	sdelay $0x3  }
0x37: {  	[smem:$0x3FB9] =	sst s10  }
0x38: {  	s10 =	sld [smem:$0x3FBA]  }
0x39: {  	_ = 	snop;
	(pc) =	sbr.ind lr, $3  }
0x3a: {  	_ = 	snop  }
0x3b: {  	_ = 	snop  }
0x3c: {  	p2 =	seq.s32 s10, $0x1;
	s10 =	sld [smem:$0x3FB9]  }
0x3d: {  	_ =	shalt  }
0x3e: {  	_ =	shalt  }
0x3f: {  	_ =	shalt  }
0x40: {  	_ =	shalt  }
0x41: {  	_ =	shalt  }
0x42: {  	_ =	shalt  }
0x43: {  	_ =	shalt  }
0x44: {  	_ =	shalt  }
0x45: {  	_ =	shalt  }
0x46: {  	_ =	shalt  }
0x47: {  	_ =	shalt  }
0x48: {  	_ =	shalt  }
0x49: {  	_ =	shalt  }
0x4a: {  	_ =	shalt  }
0x4b: {  	_ =	shalt  }
0x4c: {  	_ =	shalt  }
0x4d: {  	_ =	shalt  }
0x4e: {  	_ =	shalt  }
0x4f: {  	_ =	shalt  }
0x50: {  	_ =	shalt  }
0x51: {  	_ =	shalt  }
0x52: {  	_ =	shalt  }
0x53: {  	_ =	shalt  }
0x54: {  	_ =	shalt  }
0x55: {  	_ =	shalt  }
0x56: {  	_ =	shalt  }
0x57: {  	_ =	shalt  }
0x58: {  	_ =	shalt  }
0x59: {  	_ =	shalt  }
0x5a: {  	_ =	shalt  }
0x5b: {  	_ =	shalt  }
0x5c: {  	_ =	shalt  }
0x5d: {  	_ =	shalt  }
0x5e: {  	_ =	shalt  }
0x5f: {  	_ =	shalt  }
0x60: {  	_ =	shalt  }
0x61: {  	_ =	shalt  }
0x62: {  	_ =	shalt  }
0x63: {  	_ =	shalt  }
0x64: {  	_ =	shalt  }
0x65: {  	_ =	shalt  }
0x66: {  	_ =	shalt  }
0x67: {  	_ =	shalt  }
0x68: {  	_ =	shalt  }
0x69: {  	_ =	shalt  }
0x6a: {  	_ =	shalt  }
0x6b: {  	_ =	shalt  }
0x6c: {  	_ =	shalt  }
0x6d: {  	_ =	shalt  }
0x6e: {  	_ =	shalt  }
0x6f: {  	_ =	shalt  }
0x70: {  	_ =	shalt  }
0x71: {  	_ =	shalt  }
0x72: {  	_ =	shalt  }
0x73: {  	_ =	shalt  }
0x74: {  	_ =	shalt  }
0x75: {  	_ =	shalt  }
0x76: {  	_ =	shalt  }
0x77: {  	_ =	shalt  }
0x78: {  	_ =	shalt  }
0x79: {  	_ =	shalt  }
0x7a: {  	_ =	shalt  }
0x7b: {  	_ =	shalt  }
0x7c: {  	_ =	shalt  }
0x7d: {  	_ =	shalt  }
0x7e: {  	_ =	shalt  }
0x7f: {  	_ =	shalt  }
0x80: {  	_ =	shalt  }
0x81: {  	_ =	shalt  }
0x82: {  	_ =	shalt  }
0x83: {  	_ =	shalt  }
0x84: {  	_ =	shalt  }
0x85: {  	_ =	shalt  }
0x86: {  	_ =	shalt  }
0x87: {  	_ =	shalt  }
.Lfunc_end0:
.L_simem_size_0:
called_computation_lowered:
.L_overlay_start_0:
0x88: {  	s2 =	sld [smem:$0x3FD9]  }
0x89: {  	s3 =	sld [smem:$0x3FFE];
	_ =	sdelay $0x1  }
0x8a: {  	s1 =	srdreg.scid  }
0x8b: {  	s0 =	sand.u32 $0x1, s1  }
0x8c: {  	s17 =	sshll.u32 s0, $0xA;
	s2 =	sadd.s32 s3, s2  }
0x8d: {  	s2 =	sadd.s32 s2, s17  }
0x8e: {  	[smem:$0x3FC5] =	sst s2  }
0x8f: {  	_ = 	snop  }
0x90: {  	s2 =	sld [smem:$0x3FC9]  }
0x91: {  	s18 =	sld [smem:$0x3FC8];
	(tm) =	ssettm $0x1  }
0x92: {  	s4 =	sld [smem:$0x3FFB];
	_ =	sdelay $0x3  }
0x93: {  	_ =	strace s4  }
0x94: {  	s4 =	sld [smem:$0x3FFC];
	_ =	sdelay $0x3  }
0x95: {  	_ =	strace s4  }
0x96: {  	s4 =	sld [smem:$0x3FFD];
	_ =	sdelay $0x3  }
0x97: {  	_ =	strace s4  }
0x98: {  	_ =	strace $0x8FFFFFFF  }
0x99: {  	s19 =	sld [smem:$0x3FDB];
	_ =	sdelay $0x1  }
0x9a: {  	s5 =	simm.s32 $_scs_section_size  }
0x9b: {  	s6 =	simm.s32 $_size__tile_overlayer_lowered;
	s7 =	simm.s32 $_tile_overlayer_lowered  }
0x9c: {  	s22 =	simm.s32 $0x1BFF;
	s21 =	sshll.u32 s7, $0x1;
	s4 =	sadd.s32 s5, s19  }
0x9d: {  	s8 =	simm.s32 $0x0;
	s20 =	sshll.u32 s6, $0x1;
	s6 =	sadd.s32 s21, s4  }
0x9e: {  	[timem:s8], [sflag:s22] =	dma.local [hbm:s6], s20  }
0x9f: {  	_ =	swait.ge [sflag:s22], s20  }
0xa0: {  	s5 =	ssub.s32 $0x0, s20;
	[sflag:s22] =	ssyncset.done $0x0  }
0xa1: {  	[sflag:s22] =	ssyncadd.s32 s5;
	_ =	sdelay $0x1  }
0xa2: {  	s23 =	simm.s32 $0x1B8B  }
0xa3: {  	_ =	swait.ge [sflag:s23], $0x1  }
0xa4: {  	[sflag:s23] =	ssyncset.done $0x0  }
0xa5: {  	s25 =	simm.s32 $0x1B8E;
	s24 =	sld [smem:$0x3FFE];
	[sflag:s23] =	ssyncadd.s32 $0xFFFFFFFF  }
0xa6: {  	s26 =	simm.s32 $execute0_lowered;
	[smem:$0x3FD2] =	sst s25  }
0xa7: {  	s6 =	sshll.u32 s26, $0x1;
	_ =	strace $0x80000046;
	[dreg:$0x1] =	wrdreg $0xFFFFFFFF  }
0xa8: {  	s28 =	simm.s32 $_size_execute0_lowered;
	s4 =	sadd.s32 s4, s6;
	[dreg:$0x0] =	wrdreg $0x0  }
0xa9: {  	s6 =	sshll.u32 s28, $0x1;
	[dreg:$0x2] =	wrdreg s4  }
0xaa: {  	[dreg:$0x3] =	wrdreg s6  }
0xab: {  	[dreg:$0x4] =	wrdreg $0xC0  }
0xac: {  	_ =	task [dreg:s8], $0x5FFFF  }
0xad: {  	[dreg:$0x1] =	wrdreg $0xFFFFFFFF  }
0xae: {  	[dreg:$0x0] =	wrdreg $0x60  }
0xaf: {  	[dreg:$0x2] =	wrdreg s2  }
0xb0: {  	[dreg:$0x3] =	wrdreg s18  }
0xb1: {  	[dreg:$0x4] =	wrdreg s24  }
0xb2: {  	[dreg:$0x5] =	wrdreg $0x10A000  }
0xb3: {  	[dreg:$0x6] =	wrdreg $0x9  }
0xb4: {  	_ =	task.clear_ibuf [dreg:s8], $0x7FFFF;
	_ =	strace $0x90000046  }
0xb5: {  	s29 =	simm.s32 $0x9;
	_ =	strace $0x80000048  }
0xb6: {  	_ =	swait.ge [sflag:s29], $0x1  }
0xb7: {  	[sflag:s29] =	ssyncadd.s32 $0xFFFFFFFF  }
0xb8: {  	_ =	strace $0x90000048  }
0xb9: {  	_ =	sfence  }
0xba: {  	s30 =	sld [smem:$0x0];
	_ =	sdelay $0x2  }
0xbb: {  	s31 =	sshll.u32 s1, $0xD;
	s1 =	sshrl.u32 s1, $0x2  }
0xbc: {  	s3 =	sand.u32 $0x4000, s31;
	s1 =	sadd.s32 s1, s30  }
0xbd: {  	s0 =	sor.u32 s3, s0;
	s1 =	sshll.u32 s1, $0x11  }
0xbe: {  	s0 =	sor.u32 s1, s0  }
0xbf: {  	s0 =	sadd.s32 $0x8F2B, s0  }
0xc0: {  	[sflag:s0] =	ssyncadd.remote.s32 $0x1  }
0xc1: {  	_ =	sfence.sel $0xFFFF  }
0xc2: {  	[dreg:$0x0] =	wrdreg $0xFFFFFFFF;
	(pc) =	sbr.abs _section_cstart, $3  }
0xc3: {  	[dreg:$0x1] =	wrdreg $0xFFFFFFFF  }
0xc4: {  	_ =	task.clear_ibuf [dreg:s8], $0x2FFFF;
	_ =	strace $0x9FFFFFFF  }
0xc5: {  	(tm) =	ssettm $0x7FFFFFFF  }
tec
execute0_lowered:
.L_overlay_start_1:
0x0: {  	(tag) =	ssettag $0x1  }
0x1: {  	s0 =	rddreg [dreg:$0x0]  }
0x2: {  	s1 =	rddreg [dreg:$0x1]  }
0x3: {  	s4 =	rddreg [dreg:$0x2]  }
0x4: {  	s2 =	rddreg [dreg:$0x3];
	s5 =	srdreg.scid  }
0x5: {  	s3 =	simm.s32 $0x0;
	s13 =	stileid.u32;
	s28 =	simm.s32 $0x200  }
0x6: {  	s30 =	simm.s32 $0x4200;
	s29 =	simm.s32 $0xC200;
	s31 =	simm.s32 $0x1  }
0x7: {  	s5 =	sand.u32 $0x1, s5;
	[smem:$0x7FF] =	sst s3;
	s6 =	sshll.u32 s13, $0xA  }
0x8: {  	s4 =	sadd.s32 $0x800, s4;
	s20 =	sshll.u32 s13, $0xD;
	p0 =	seq.s32 s13, $0xF  }
0x9: {  	s13 =	simm.s32 $0xB;
	s7 =	sshll.u32 s5, $0x9;
	s8 =	ssub.s32 $0x2, s5  }
0xa: {  	_ =	strace $0x80000047;
	s6 =	sor.u32 s7, s6;
	s23 =	sshrl.u32 s8, $0x1  }
0xb: {  	s5 =	smul.u32 $0x1F400, s5;
	s9 =	sor.u32 $0x80, s6;
	s8 =	ssub.s32 s8, s23  }
0xc: {  	s24 =	sshrl.u32 s6, $0x3;
	s26 =	sor.u32 $0x100, s6;
	s11 =	sor.u32 $0x180, s6  }
0xd: {  	s6 =	sshll.u32 s6, $0x4;
	s10 =	sshrl.u32 s9, $0x3;
	s7 =	sadd.s32 s1, s24  }
0xe: {  	s14 =	sshrl.u32 s26, $0x3;
	s12 =	sshrl.u32 s11, $0x3;
	s16 =	sshll.u32 s9, $0x4  }
0xf: {  	s18 =	sshll.u32 s26, $0x4;
	s21 =	sshll.u32 s11, $0x4;
	s26 =	sshrl.u32 s5, $0x3  }
0x10: {  	s9 =	simm.s32 $0x7;
	[dreg:$0x5] =	wrdreg s7;
	s25 =	sadd.s32 s1, s10  }
0x11: {  	s11 =	simm.s32 $0x9;
	s7 =	sadd.s32 s1, s14;
	[dreg:$0x6] =	wrdreg s25  }
0x12: {  	s1 =	sadd.s32 s1, s12;
	s14 =	sadd.s32 s20, s2;
	[dreg:$0x7] =	wrdreg s7  }
0x13: {  	s10 =	simm.s32 $0x8;
	[dreg:$0x8] =	wrdreg s1;
	s1 =	sadd.s32 s0, s16  }
0x14: {  	s12 =	simm.s32 $0xA;
	s23 =	sadd.s32 $0x800, s14;
	[dreg:$0xa] =	wrdreg s1  }
0x15: {  	s7 =	sadd.s32 s0, s6;
	s24 =	sadd.s32 $0x1000, s14;
	[dreg:$0x10] =	wrdreg s23  }
0x16: {  	s25 =	sadd.s32 s20, s5;
	s15 =	sadd.s32 $0x400, s7;
	[dreg:$0x11] =	wrdreg s24  }
0x17: {  	s5 =	simm.s32 $0x4;
	s17 =	sadd.s32 $0xC00, s7;
	[dreg:$0x9] =	wrdreg s15  }
0x18: {  	s6 =	simm.s32 $0x5;
	s1 =	sadd.s32 s0, s18;
	[dreg:$0xb] =	wrdreg s17  }
0x19: {  	s16 =	simm.s32 $0x0;
	s19 =	sadd.s32 $0x1400, s7;
	[dreg:$0xc] =	wrdreg s1  }
0x1a: {  	s0 =	sadd.s32 s0, s21;
	s22 =	sadd.s32 $0x1C00, s7;
	[dreg:$0xd] =	wrdreg s19  }
0x1b: {  	s23 =	simm.s32 $0x80;
	s24 =	simm.s32 $0x100;
	[dreg:$0xe] =	wrdreg s0  }
0x1c: {  	[dreg:$0xf] =	wrdreg s22;
	s19 =	sadd.s32 $0x1800, s14;
	s0 =	sshrl.u32 s25, $0x3  }
0x1d: {  	s1 =	sadd.s32 s4, s26;
	s22 =	smax.u32 s8, $0x1;
	s26 =	simm.s32 $0x180  }
0x1e: {  	s8 =	simm.s32 $0x6;
	s15 =	simm.s32 $0x3;
	s20 =	sadd.s32 s4, s0  }
0x1f: {  	s21 =	sadd.s32 $0x3C00, s1;
	s0 =	sadd.s32 $0x1E000, s2;
	s1 =	simm.s32 $0x10200  }
0x20: {  	v0 =	vimm.f32 $0.0e+00;
	s4 =	simm.s32 $0x2;
	s25 =	sshrl.u32 @p0 s0, $0x3;
	s0 =	simm.s32 $0x8200  }
.LBB2_1:
0x21: {  	s17 =	rddreg [dreg:$0x5]  }
0x22: {  	[tilespmem:s3], [sflag:$0x2] =	stream.linear.gather [hbm4b:s17+s3], $0x80, $0x38;
	[tilespmem:$0x12A00] =	vst v63  }
0x23: {  	s18 =	rddreg [dreg:$0x6]  }
0x24: {  	[tilespmem:s23], [sflag:$0x2] =	stream.linear.gather [hbm4b:s18+s3], $0x80, $0x38;
	[tilespmem:$0x12A00] =	vst v63  }
0x25: {  	s18 =	rddreg [dreg:$0x7]  }
0x26: {  	[tilespmem:s24], [sflag:$0x2] =	stream.linear.gather [hbm4b:s18+s3], $0x80, $0x38;
	[tilespmem:$0x12A00] =	vst v63  }
0x27: {  	s18 =	rddreg [dreg:$0x8]  }
0x28: {  	[tilespmem:s26], [sflag:$0x2] =	stream.linear.gather [hbm4b:s18+s3], $0x80, $0x38;
	[tilespmem:$0x12A00] =	vst v63  }
0x29: {  	_ = 	snop  }
0x2a: {  	[tilespmem:s28], [sflag:$0x4] =	stream.linear.gather [hbm4b:s7+s3], $0x2000, $0x38;
	[tilespmem:$0x12A00] =	vst v63  }
0x2b: {  	s17 =	rddreg [dreg:$0x9];
	s18 =	simm.s32 $0x2200  }
0x2c: {  	[tilespmem:s18], [sflag:$0x5] =	stream.linear.gather [hbm4b:s17+s3], $0x2000, $0x38;
	[tilespmem:$0x12A00] =	vst v63  }
0x2d: {  	s18 =	rddreg [dreg:$0xa]  }
0x2e: {  	[tilespmem:s30], [sflag:$0x6] =	stream.linear.gather [hbm4b:s18+s3], $0x2000, $0x38;
	[tilespmem:$0x12A00] =	vst v63  }
0x2f: {  	s17 =	rddreg [dreg:$0xb];
	s18 =	simm.s32 $0x6200  }
0x30: {  	[tilespmem:s18], [sflag:$0x7] =	stream.linear.gather [hbm4b:s17+s3], $0x2000, $0x38;
	[tilespmem:$0x12A00] =	vst v63  }
0x31: {  	s18 =	rddreg [dreg:$0xc]  }
0x32: {  	[tilespmem:s0], [sflag:$0x8] =	stream.linear.gather [hbm4b:s18+s3], $0x2000, $0x38;
	[tilespmem:$0x12A00] =	vst v63  }
0x33: {  	s17 =	rddreg [dreg:$0xd];
	s18 =	simm.s32 $0xA200  }
0x34: {  	[tilespmem:s18], [sflag:$0x9] =	stream.linear.gather [hbm4b:s17+s3], $0x2000, $0x38;
	[tilespmem:$0x12A00] =	vst v63  }
0x35: {  	s18 =	rddreg [dreg:$0xe]  }
0x36: {  	[tilespmem:s29], [sflag:$0xA] =	stream.linear.gather [hbm4b:s18+s3], $0x2000, $0x38;
	[tilespmem:$0x12A00] =	vst v63  }
0x37: {  	s17 =	rddreg [dreg:$0xf];
	s18 =	simm.s32 $0xE200  }
0x38: {  	[tilespmem:s18], [sflag:$0xB] =	stream.linear.gather [hbm4b:s17+s3], $0x2000, $0x38;
	[tilespmem:$0x12A00] =	vst v63  }
0x39: {  	s17 =	simm.s32 $0x0;
	s18 =	simm.s32 $0x200  }
.LBB2_2:
0x3a: {  	p1 =	sne.s32 s18, $0x1E00;
	[tilespmem:s17+$0x10270] =	vst v0  }
0x3b: {  	[tilespmem:s17+$0x10200] =	vst v0  }
0x3c: {  	[tilespmem:s17+$0x10210] =	vst v0  }
.Ltmp0:
0x3d: {  	[tilespmem:s17+$0x10220] =	vst v0;
	(pc) =	sbr.rel @p1 .LBB2_2-.Ltmp0, $4  }
0x3e: {  	[tilespmem:s17+$0x10230] =	vst v0  }
0x3f: {  	[tilespmem:s17+$0x10240] =	vst v0  }
0x40: {  	[tilespmem:s17+$0x10250] =	vst v0  }
0x41: {  	[tilespmem:s17+$0x10260] =	vst v0;
	s17 =	sshra.s32 s18, $0x2;
	s18 =	sadd.s32 $0x200, s18  }
0x42: {  	[tilespmem:s17+$0x10270] =	vst v0  }
0x43: {  	[tilespmem:s17+$0x10200] =	vst v0  }
0x44: {  	[tilespmem:s17+$0x10210] =	vst v0  }
0x45: {  	[tilespmem:s17+$0x10220] =	vst v0  }
0x46: {  	[tilespmem:s17+$0x10230] =	vst v0  }
0x47: {  	[tilespmem:s17+$0x10240] =	vst v0  }
0x48: {  	[tilespmem:s17+$0x10250] =	vst v0  }
0x49: {  	[tilespmem:s17+$0x10260] =	vst v0  }
0x4a: {  	[spmem:s14] =	stream.linear.scatter [tilespmem:s1], [sflag:$0x1], $0x800, $0x38;
	[tilespmem:$0x12A00] =	vst v63  }
0x4b: {  	s18 =	rddreg [dreg:$0x10]  }
0x4c: {  	[spmem:s18] =	stream.linear.scatter [tilespmem:s1], [sflag:$0x1], $0x800, $0x38;
	[tilespmem:$0x12A00] =	vst v63  }
0x4d: {  	s18 =	rddreg [dreg:$0x11]  }
0x4e: {  	[spmem:s18] =	stream.linear.scatter [tilespmem:s1], [sflag:$0x1], $0x800, $0x38;
	[tilespmem:$0x12A00] =	vst v63  }
0x4f: {  	_ = 	snop  }
0x50: {  	[spmem:s19] =	stream.linear.scatter [tilespmem:s1], [sflag:$0x1], $0x800, $0x38;
	[tilespmem:$0x12A00] =	vst v63  }
0x51: {  	_ =	swait.ge [sflag:s31], $0x800  }
0x52: {  	[sflag:s31] =	ssyncset.done $0x0  }
0x53: {  	[sflag:s31] =	ssyncadd.s32 $0xFFFFF800  }
0x54: {  	_ =	swait.ge [sflag:s31], $0x800  }
0x55: {  	[sflag:s31] =	ssyncset.done $0x0  }
0x56: {  	[sflag:s31] =	ssyncadd.s32 $0xFFFFF800  }
0x57: {  	_ =	swait.ge [sflag:s31], $0x800  }
0x58: {  	[sflag:s31] =	ssyncset.done $0x0  }
0x59: {  	[sflag:s31] =	ssyncadd.s32 $0xFFFFF800  }
0x5a: {  	_ =	swait.ge [sflag:s31], $0x800  }
0x5b: {  	[sflag:s31] =	ssyncset.done $0x0  }
0x5c: {  	[sflag:s31] =	ssyncadd.s32 $0xFFFFF800  }
0x5d: {  	[bflag:$0x0] =	sbarrier.arrive $0xFFFF  }
0x5e: {  	_ =	swait.ge [sflag:s4], $0x80  }
0x5f: {  	[sflag:s4] =	ssyncset.done $0x0  }
0x60: {  	[sflag:s4] =	ssyncadd.s32 $0xFFFFFF80  }
0x61: {  	_ =	swait.ge [sflag:s4], $0x80  }
0x62: {  	[sflag:s4] =	ssyncset.done $0x0  }
0x63: {  	[sflag:s4] =	ssyncadd.s32 $0xFFFFFF80  }
0x64: {  	_ =	swait.ge [sflag:s4], $0x80  }
0x65: {  	[sflag:s4] =	ssyncset.done $0x0  }
0x66: {  	[sflag:s4] =	ssyncadd.s32 $0xFFFFFF80  }
0x67: {  	_ =	swait.ge [sflag:s4], $0x80  }
0x68: {  	[sflag:s4] =	ssyncset.done $0x0  }
0x69: {  	[sflag:s4] =	ssyncadd.s32 $0xFFFFFF80  }
0x6a: {  	_ =	swait.ge [sflag:s5], $0x2000  }
0x6b: {  	[sflag:s5] =	ssyncset.done $0x0  }
0x6c: {  	[sflag:s5] =	ssyncadd.s32 $0xFFFFE000  }
0x6d: {  	_ =	swait.ge [sflag:s6], $0x2000  }
0x6e: {  	[sflag:s6] =	ssyncset.done $0x0  }
0x6f: {  	[sflag:s6] =	ssyncadd.s32 $0xFFFFE000  }
0x70: {  	[spmem:s2] =	stream.indirect.scatter.add.f32 [tilespmem:s28], [sflag:$0x3], $0x80, s3, s23, $0xb8;
	[tilespmem:$0x12A00] =	vst v63  }
0x71: {  	_ =	swait.ge [sflag:s8], $0x2000  }
0x72: {  	[sflag:s8] =	ssyncset.done $0x0  }
0x73: {  	[sflag:s8] =	ssyncadd.s32 $0xFFFFE000  }
0x74: {  	_ =	swait.ge [sflag:s9], $0x2000  }
0x75: {  	[sflag:s9] =	ssyncset.done $0x0  }
0x76: {  	[sflag:s9] =	ssyncadd.s32 $0xFFFFE000  }
0x77: {  	[spmem:s2] =	stream.indirect.scatter.add.f32 [tilespmem:s30], [sflag:$0x3], $0x80, s23, s23, $0xb8;
	[tilespmem:$0x12A00] =	vst v63  }
0x78: {  	_ =	swait.ge [sflag:s10], $0x2000  }
0x79: {  	[sflag:s10] =	ssyncset.done $0x0  }
0x7a: {  	[sflag:s10] =	ssyncadd.s32 $0xFFFFE000  }
0x7b: {  	_ =	swait.ge [sflag:s11], $0x2000  }
0x7c: {  	[sflag:s11] =	ssyncset.done $0x0  }
0x7d: {  	[sflag:s11] =	ssyncadd.s32 $0xFFFFE000  }
0x7e: {  	[spmem:s2] =	stream.indirect.scatter.add.f32 [tilespmem:s0], [sflag:$0x3], $0x80, s24, s23, $0xb8;
	[tilespmem:$0x12A00] =	vst v63  }
0x7f: {  	_ =	swait.ge [sflag:s12], $0x2000  }
0x80: {  	[sflag:s12] =	ssyncset.done $0x0  }
0x81: {  	[sflag:s12] =	ssyncadd.s32 $0xFFFFE000  }
0x82: {  	_ =	swait.ge [sflag:s13], $0x2000  }
0x83: {  	[sflag:s13] =	ssyncset.done $0x0  }
0x84: {  	[sflag:s13] =	ssyncadd.s32 $0xFFFFE000  }
0x85: {  	[spmem:s2] =	stream.indirect.scatter.add.f32 [tilespmem:s29], [sflag:$0x3], $0x80, s26, s23, $0xb8;
	[tilespmem:$0x12A00] =	vst v63  }
0x86: {  	_ =	swait.ge [sflag:s15], $0x4000  }
0x87: {  	[sflag:s15] =	ssyncset.done $0x0  }
0x88: {  	[sflag:s15] =	ssyncadd.s32 $0xFFFFC000  }
0x89: {  	_ =	swait.ge [sflag:s15], $0x4000  }
0x8a: {  	[sflag:s15] =	ssyncset.done $0x0  }
0x8b: {  	[sflag:s15] =	ssyncadd.s32 $0xFFFFC000  }
0x8c: {  	_ =	swait.ge [sflag:s15], $0x4000  }
0x8d: {  	[sflag:s15] =	ssyncset.done $0x0  }
0x8e: {  	[sflag:s15] =	ssyncadd.s32 $0xFFFFC000  }
0x8f: {  	_ =	swait.ge [sflag:s15], $0x4000  }
0x90: {  	[sflag:s15] =	ssyncset.done $0x0  }
0x91: {  	[sflag:s15] =	ssyncadd.s32 $0xFFFFC000  }
0x92: {  	s17 =	simm.s32 @p0 $0x1FCC;
	[bflag:$0x0] =	sbarrier.arrive $0xFFFF  }
0x93: {  	[hbm:s21], [sflag:s17] =	dma.local @p0 [spmem:s25], $0x280  }
0x94: {  	s17 =	simm.s32 @p0 $0xC  }
0x95: {  	s16 =	sadd.s32 $0x1, s16;
	s18 =	stileid.u32;
	_ =	swait.ge @p0 [sflag:s17], $0x280  }
0x96: {  	p1 =	sne.s32 s16, s22;
	s18 =	sshll.u32 @!p0 s18, $0x6;
	[sflag:s17] =	ssyncset.done @p0 $0x0  }
0x97: {  	[sflag:s17] =	ssyncadd.s32 @p0 $0xFFFFFD80;
	s17 =	sor.u32 @!p0 $0x1C0C, s18;
	s18 =	sshrl.u32 @!p0 s14, $0x3  }
0x98: {  	[hbm:s20], [sflag:s17] =	dma.local @!p0 [spmem:s18], $0x400  }
.Ltmp1:
0x99: {  	_ = 	snop;
	(pc) =	sbr.rel @p1 .LBB2_1-.Ltmp1, $4  }
0x9a: {  	s17 =	simm.s32 @!p0 $0xC  }
0x9b: {  	_ =	swait.ge @!p0 [sflag:s17], $0x400  }
0x9c: {  	[sflag:s17] =	ssyncset.done @!p0 $0x0  }
0x9d: {  	[sflag:s17] =	ssyncadd.s32 @!p0 $0xFFFFFC00  }
0x9e: {  	_ =	sfence.sel $0x180000  }
0x9f: {  	[bflag:$0x0] =	sbarrier.arrive $0xFFFF  }
0xa0: {  	_ =	strace $0x90000047  }
0xa1: {  	s0 =	stileid.u32;
	[bflag:$0x2] =	sbarrier.arrive $0xFFFF  }
0xa2: {  	p0 =	sne.s32 s0, $0x0;
	s0 =	rddreg [dreg:$0x4]  }
0xa3: {  	s0 =	sadd.s32 @!p0 $0x100000, s0  }
0xa4: {  	[sflag:s0] =	ssyncadd.tile.s32 @!p0 $0x1;
	_ =	shalt  }
.Lfunc_end2:
_tile_overlayer_lowered:
.L_overlay_start_2:
0xa5: {  	(tag) =	ssettag $0x2  }
0xa6: {  	s0 =	rddreg [dreg:$0x0];
	s2 =	stileid.u32  }
0xa7: {  	s1 =	rddreg [dreg:$0x1];
	p0 =	sne.s32 s2, $0x0  }
0xa8: {  	s3 =	rddreg [dreg:$0x2];
	[bflag:$0x3] =	sbarrier.arrive $0xFFFF;
	s2 =	simm.s32 @!p0 $0x1C0C  }
0xa9: {  	[timem:s3], [sflag:s2] =	dma.local @!p0 [hbm:s0], s1  }
0xaa: {  	s0 =	simm.s32 @!p0 $0xC  }
0xab: {  	_ =	swait.ge @!p0 [sflag:s0], s1  }
0xac: {  	s1 =	ssub.s32 @!p0 $0x0, s1;
	[sflag:s0] =	ssyncset.done @!p0 $0x0  }
0xad: {  	[sflag:s0] =	ssyncadd.s32 @!p0 s1  }
0xae: {  	[bflag:$0x3] =	sbarrier.arrive $0xFFFF  }
0xaf: {  	_ =	shalt  }

</sc_bundles>
